<compile_context>
chip_gen: v7x
topology: tpu7x:2x2x1
jax: 0.10.2.dev20260603
libtpu: 0.0.44.dev20260713+nightly
codegen_flags: <defaults>
</compile_context>

<pallas_src>
import functools

import jax
import jax.numpy as jnp
from jax import lax
from jax.experimental import pallas as pl
from jax.experimental.pallas import tpu as pltpu
from jax.experimental.pallas import tpu_sc as plsc

NC = 2
NS = 16
CH = 128


def _tc_table_kernel(x_ref, w_ref, bvec_ref, ei_ref, et_ref,
                     tab_ref, gidx_ref, dst_out_ref, *, plane_rows, spp,
                     bias_plane, n_edges, n_nodes, dummy, n_rel):
    acc = jnp.dot(x_ref[...], w_ref[...], preferred_element_type=jnp.float32)

    @pl.when(pl.program_id(0) == bias_plane)
    def _():
        tab_ref[0] = acc + bvec_ref[...]

    @pl.when(pl.program_id(0) != bias_plane)
    def _():
        tab_ref[0] = acc

    shp = gidx_ref.shape
    eid = (lax.broadcasted_iota(jnp.int32, shp, 0) * 128
           + lax.broadcasted_iota(jnp.int32, shp, 1)
           + pl.program_id(0) * (shp[0] * 128))
    node = eid - n_edges
    et = jnp.where(eid < n_edges, et_ref[...], n_rel)
    src = jnp.where(eid < n_edges, ei_ref[:, 0, :], node)
    is_pad = eid >= n_edges + n_nodes
    gidx = (et // spp) * plane_rows + src * spp + (et % spp)
    gidx_ref[...] = jnp.where(is_pad, 0, gidx)
    dst = jnp.where(eid < n_edges, ei_ref[:, 1, :], node)
    dst_out_ref[...] = jnp.where(is_pad, dummy, dst)


def _tc_combine_kernel(p_ref, o_ref):
    o_ref[...] = p_ref[0] + p_ref[1]


def _sc_scatter_body(table_hbm, gidx_hbm, dst_hbm, zrows_hbm, out_hbm,
                     gidx_v, dst_v, bufs, vout, acc_sh,
                     gsems, ssems, *, nchunk, rows_per_tile, nbuf):
    c = lax.axis_index("c")
    s = lax.axis_index("s")
    wid = s * NC + c

    pltpu.sync_copy(gidx_hbm.at[wid], gidx_v)
    pltpu.sync_copy(dst_hbm.at[wid], dst_v)

    pltpu.sync_copy(zrows_hbm, vout)
    pltpu.sync_copy(vout, acc_sh.at[pl.ds(s * rows_per_tile, rows_per_tile)])
    plsc.subcore_barrier()

    def start_gather(j, b):
        pltpu.async_copy(table_hbm.at[gidx_v.at[j]], bufs.at[b], gsems.at[b])

    def wait_gather(b):
        pltpu.make_async_copy(table_hbm.at[gidx_v.at[0]], bufs.at[b],
                              gsems.at[b]).wait()

    def start_scatter(j, b):
        pltpu.async_copy(bufs.at[b], acc_sh.at[dst_v.at[j]], ssems.at[b],
                         add=True)

    def wait_scatter(b):
        pltpu.make_async_copy(bufs.at[b], acc_sh.at[dst_v.at[0]],
                              ssems.at[b]).wait()

    start_gather(0, 0)
    start_gather(1, 1)
    wait_gather(0)
    start_scatter(0, 0)
    start_gather(2, 2)

    def body(i, carry):
        for t in range(3):
            j = 3 * i + 1 + t
            b = (1 + t) % 3
            wait_gather(b)
            wait_scatter((b + 2) % 3)

            @pl.when(j + 2 < nchunk)
            def _(j=j, b=b):
                start_gather(j + 2, (b + 2) % 3)

            start_scatter(j, b)
        return carry

    lax.fori_loop(0, (nchunk - 1) // 3, body, 0)
    wait_scatter((nchunk - 1) % 3)
    plsc.subcore_barrier()

    pltpu.sync_copy(acc_sh.at[pl.ds(s * rows_per_tile, rows_per_tile)], vout)
    pltpu.sync_copy(vout, out_hbm.at[c, pl.ds(s * rows_per_tile, rows_per_tile)])


def kernel(x, edge_index, edge_type, W, loop_weight, bias):
    n, d_in = x.shape
    e = edge_type.shape[0]
    r = W.shape[0]
    d_out = W.shape[2]
    f32 = jnp.float32

    slot = 8
    spp = 128 // slot
    r_pad = ((r + 1 + spp - 1) // spp) * spp
    n_acc = ((n + 1 + 8 * NS - 1) // (8 * NS)) * (8 * NS)
    rows_per_tile = n_acc // NS
    dummy = n
    nw = NC * NS
    nbuf = 3
    e_full = e + n
    nchunk = -(-e_full // (nw * CH))
    while (nchunk - 1) % 3:
        nchunk += 1
    e_pad = nw * nchunk * CH
    ep_rows = e_pad // 128

    w_full = jnp.concatenate([W, loop_weight[None]], axis=0)
    w_pad = jnp.zeros((r_pad, d_in, slot), f32).at[:r + 1, :, :d_out].set(w_full)
    w_cat = w_pad.transpose(1, 0, 2).reshape(d_in, r_pad * slot)
    bias_plane = r // spp
    bias_slot = r % spp
    bvec = jnp.zeros((1, 128), f32).at[0, bias_slot * slot:
                                       bias_slot * slot + d_out].set(
        bias.astype(f32))

    e_rows = e // 128
    ei3 = edge_index.reshape(2, e_rows, 128).transpose(1, 0, 2)
    et_r = edge_type.reshape(e_rows, 128)

    zrows = jnp.zeros((rows_per_tile, slot), f32)

    planes = r_pad * slot // 128
    plane_rows = n * 128 // slot
    table, gidx, dst_syn = pl.pallas_call(
        functools.partial(_tc_table_kernel, plane_rows=plane_rows, spp=spp,
                          bias_plane=bias_plane, n_edges=e, n_nodes=n,
                          dummy=dummy, n_rel=r),
        grid=(planes,),
        in_specs=[
            pl.BlockSpec((n, d_in), lambda g: (0, 0)),
            pl.BlockSpec((d_in, 128), lambda g: (0, g)),
            pl.BlockSpec((1, 128), lambda g: (0, 0)),
            pl.BlockSpec((ep_rows // planes, 2, 128), lambda g: (g, 0, 0)),
            pl.BlockSpec((ep_rows // planes, 128), lambda g: (g, 0)),
        ],
        out_specs=[
            pl.BlockSpec((1, n, 128), lambda g: (g, 0, 0)),
            pl.BlockSpec((ep_rows // planes, 128), lambda g: (g, 0)),
            pl.BlockSpec((ep_rows // planes, 128), lambda g: (g, 0)),
        ],
        out_shape=[
            jax.ShapeDtypeStruct((planes, n, 128), f32),
            jax.ShapeDtypeStruct((ep_rows, 128), jnp.int32),
            jax.ShapeDtypeStruct((ep_rows, 128), jnp.int32),
        ],
    )(x, w_cat, bvec, ei3, et_r)

    mesh = plsc.VectorSubcoreMesh(core_axis_name="c", subcore_axis_name="s",
                                  num_cores=NC, num_subcores=NS)
    sc = pl.kernel(
        functools.partial(_sc_scatter_body, nchunk=nchunk,
                          rows_per_tile=rows_per_tile, nbuf=nbuf),
        out_type=jax.ShapeDtypeStruct((NC, n_acc, slot), f32),
        mesh=mesh,
        compiler_params=pltpu.CompilerParams(use_tc_tiling_on_sc=False),
        scratch_types=[
            pltpu.VMEM((nchunk, CH), jnp.int32),
            pltpu.VMEM((nchunk, CH), jnp.int32),
            pltpu.VMEM((nbuf, CH, slot), f32),
            pltpu.VMEM((rows_per_tile, slot), f32),
            pltpu.VMEM_SHARED((n_acc, slot), f32),
            pltpu.SemaphoreType.DMA((nbuf,)),
            pltpu.SemaphoreType.DMA((nbuf,)),
        ],
    )
    partials = sc(table.reshape(n * r_pad, slot),
                  gidx.reshape(nw, nchunk, CH),
                  dst_syn.reshape(nw, nchunk, CH), zrows)

    flat_rows = n_acc * slot // 128
    out_flat = pl.pallas_call(
        _tc_combine_kernel,
        grid=(1,),
        in_specs=[
            pl.BlockSpec((NC, flat_rows, 128), lambda g: (0, 0, 0)),
        ],
        out_specs=pl.BlockSpec((flat_rows, 128), lambda g: (0, 0)),
        out_shape=jax.ShapeDtypeStruct((flat_rows, 128), f32),
    )(partials.reshape(NC, flat_rows, 128))

    return out_flat.reshape(n_acc, slot)[:n, :d_out]

# --- scband reference (transcript-rebuilt; emitter-appended) ---
"""Pipeline reference for scband-classifier-22119081575034 (READ-ONLY COPY).

The authoritative reference and input builder live on the scoring server;
editing this copy changes nothing except your own understanding.
"""

import jax, jax.numpy as jnp
import numpy as np

N = 10000
E = 320000
D_IN = 128
D_OUT = 8
R = 19

def setup_inputs(seed: int = 0) -> dict:
    key = jax.random.key(seed)
    ks = jax.random.split(key, 6)
    x = jax.random.normal(ks[0], (N, D_IN), dtype=jnp.float32)
    edge_index = jax.random.randint(ks[1], (2, E), 0, N, dtype=jnp.int32)
    edge_type = jax.random.randint(ks[2], (E,), 0, R, dtype=jnp.int32)
    W = jax.random.normal(ks[3], (R, D_IN, D_OUT), dtype=jnp.float32) * (1.0 / np.sqrt(D_IN))
    loop_weight = jax.random.normal(ks[4], (D_IN, D_OUT), dtype=jnp.float32) * (1.0 / np.sqrt(D_IN))
    bias = jnp.zeros((D_OUT,), dtype=jnp.float32)
    return {"x": x, "edge_index": edge_index, "edge_type": edge_type,
            "W": W, "loop_weight": loop_weight, "bias": bias}

def reference(x, edge_index, edge_type, W, loop_weight, bias):
    # Classifier with embedder=identity (h = node features) followed by a single
    # RelGraphConv (DGL semantics, regularizer=None since num_bases=-1):
    #   h_i' = sum_{(j->i) with rel r} x_j @ W_r  +  x_i @ W_loop  +  b
    src = edge_index[0]
    dst = edge_index[1]
    xs = x[src]  # gather source node features [E, D_IN]
    m = jnp.zeros((E, D_OUT), dtype=x.dtype)
    for r in range(R):
        mask = (edge_type == r)[:, None]
        m = m + jnp.where(mask, xs @ W[r], jnp.zeros((), dtype=x.dtype))
    agg = jax.ops.segment_sum(m, dst, num_segments=N)  # scatter-add by dst
    h = agg + x @ loop_weight + bias  # self-loop + bias, activation=None
    # h is 2-D (out_feat=8 > 1), so no trailing-dim expansion needed
    return h

if __name__ == "__main__":
    import jax
    _d = setup_inputs()
    print(jax.jit(kernel)(*tuple(_d.values())))

</pallas_src>

<mosaic_0001>
#map = affine_map<(d0, d1) -> (0, 0)>
#map1 = affine_map<(d0, d1) -> (0, 0, 0)>
module attributes {stable_mosaic.version = 14 : i64} {
  func.func @_sc_scatter_body(%arg0: i32, %arg1: i32, %arg2: memref<320000x8xf32, #tpu.memory_space<hbm>>, %arg3: memref<32x82x128xi32, #tpu.memory_space<hbm>>, %arg4: memref<32x82x128xi32, #tpu.memory_space<hbm>>, %arg5: memref<632x8xf32, #tpu.memory_space<hbm>>, %arg6: memref<2x10112x8xf32, #tpu.memory_space<hbm>>, %arg7: memref<82x128xi32, #tpu.memory_space<vmem>>, %arg8: memref<82x128xi32, #tpu.memory_space<vmem>>, %arg9: memref<3x128x8xf32, #tpu.memory_space<vmem>>, %arg10: memref<632x8xf32, #tpu.memory_space<vmem>>, %arg11: memref<10112x8xf32, #tpu.memory_space<vmem_shared>>, %arg12: memref<3x!tpu.dma_semaphore, #tpu.memory_space<semaphore_mem>>, %arg13: memref<3x!tpu.dma_semaphore, #tpu.memory_space<semaphore_mem>>) attributes {dimension_semantics = [#tpu.dimension_semantics<core_parallel>, #tpu.dimension_semantics<subcore_parallel>], iteration_bounds = array<i64: 2, 16>, scalar_prefetch = 0 : i64, scratch_operands = 7 : i64, tpu.core_type = #tpu.core_type<sc_vector_subcore>, window_params = [{transform_indices = #map}, {transform_indices = #map1}, {transform_indices = #map1}, {transform_indices = #map}, {transform_indices = #map1}]} {
    %mul3A = arith.constant 2 : i32
    %mul3A_0 = arith.muli %arg1, %mul3A : i32
    %add3A = arith.addi %mul3A_0, %arg0 : i32
    "tpu.region"() ({
      %run_scoped3A = tpu.sem_alloc : memref<!tpu.dma_semaphore, #tpu.memory_space<semaphore_mem>>
      %dma_start3A_101 = arith.constant 0 : i32
      %dma_start3A_102 = arith.constant 0 : i32
      %dma_start3A_103 = tpu.memref_slice %arg3[%add3A, %dma_start3A_101, %dma_start3A_102] : memref<32x82x128xi32, #tpu.memory_space<hbm>> -> memref<1x82x128xi32, #tpu.memory_space<hbm>>
      %dma_start3A_104 = tpu.memref_squeeze %dma_start3A_103 : memref<1x82x128xi32, #tpu.memory_space<hbm>> -> memref<82x128xi32, #tpu.memory_space<hbm>>
      %dma_start3A_105 = arith.constant 0 : i32
      %dma_start3A_106 = arith.constant 0 : i32
      %dma_start3A_107 = tpu.memref_slice %arg3[%add3A, %dma_start3A_105, %dma_start3A_106] : memref<32x82x128xi32, #tpu.memory_space<hbm>> -> memref<1x82x128xi32, #tpu.memory_space<hbm>>
      %dma_start3A_108 = tpu.memref_squeeze %dma_start3A_107 : memref<1x82x128xi32, #tpu.memory_space<hbm>> -> memref<82x128xi32, #tpu.memory_space<hbm>>
      tpu.enqueue_dma source(%dma_start3A_108 : memref<82x128xi32, #tpu.memory_space<hbm>>) target(%arg7 : memref<82x128xi32, #tpu.memory_space<vmem>>) target_semaphore(%run_scoped3A : memref<!tpu.dma_semaphore, #tpu.memory_space<semaphore_mem>>)
      %dma_wait3A_109 = arith.constant 0 : i32
      %dma_wait3A_110 = arith.constant 0 : i32
      %dma_wait3A_111 = tpu.memref_slice %arg3[%add3A, %dma_wait3A_109, %dma_wait3A_110] : memref<32x82x128xi32, #tpu.memory_space<hbm>> -> memref<1x82x128xi32, #tpu.memory_space<hbm>>
      %dma_wait3A_112 = tpu.memref_squeeze %dma_wait3A_111 : memref<1x82x128xi32, #tpu.memory_space<hbm>> -> memref<82x128xi32, #tpu.memory_space<hbm>>
      %dma_wait3A_113 = arith.constant 0 : i32
      %dma_wait3A_114 = arith.constant 0 : i32
      %dma_wait3A_115 = tpu.memref_slice %arg3[%add3A, %dma_wait3A_113, %dma_wait3A_114] : memref<32x82x128xi32, #tpu.memory_space<hbm>> -> memref<1x82x128xi32, #tpu.memory_space<hbm>>
      %dma_wait3A_116 = tpu.memref_squeeze %dma_wait3A_115 : memref<1x82x128xi32, #tpu.memory_space<hbm>> -> memref<82x128xi32, #tpu.memory_space<hbm>>
      tpu.wait_dma2 semaphore(%run_scoped3A : memref<!tpu.dma_semaphore, #tpu.memory_space<semaphore_mem>>) src(%dma_wait3A_116 : memref<82x128xi32, #tpu.memory_space<hbm>>) dst(%arg7 : memref<82x128xi32, #tpu.memory_space<vmem>>)
      tpu.yield
    }) : () -> ()
    "tpu.region"() ({
      %run_scoped3A = tpu.sem_alloc : memref<!tpu.dma_semaphore, #tpu.memory_space<semaphore_mem>>
      %dma_start3A_101 = arith.constant 0 : i32
      %dma_start3A_102 = arith.constant 0 : i32
      %dma_start3A_103 = tpu.memref_slice %arg4[%add3A, %dma_start3A_101, %dma_start3A_102] : memref<32x82x128xi32, #tpu.memory_space<hbm>> -> memref<1x82x128xi32, #tpu.memory_space<hbm>>
      %dma_start3A_104 = tpu.memref_squeeze %dma_start3A_103 : memref<1x82x128xi32, #tpu.memory_space<hbm>> -> memref<82x128xi32, #tpu.memory_space<hbm>>
      %dma_start3A_105 = arith.constant 0 : i32
      %dma_start3A_106 = arith.constant 0 : i32
      %dma_start3A_107 = tpu.memref_slice %arg4[%add3A, %dma_start3A_105, %dma_start3A_106] : memref<32x82x128xi32, #tpu.memory_space<hbm>> -> memref<1x82x128xi32, #tpu.memory_space<hbm>>
      %dma_start3A_108 = tpu.memref_squeeze %dma_start3A_107 : memref<1x82x128xi32, #tpu.memory_space<hbm>> -> memref<82x128xi32, #tpu.memory_space<hbm>>
      tpu.enqueue_dma source(%dma_start3A_108 : memref<82x128xi32, #tpu.memory_space<hbm>>) target(%arg8 : memref<82x128xi32, #tpu.memory_space<vmem>>) target_semaphore(%run_scoped3A : memref<!tpu.dma_semaphore, #tpu.memory_space<semaphore_mem>>)
      %dma_wait3A_109 = arith.constant 0 : i32
      %dma_wait3A_110 = arith.constant 0 : i32
      %dma_wait3A_111 = tpu.memref_slice %arg4[%add3A, %dma_wait3A_109, %dma_wait3A_110] : memref<32x82x128xi32, #tpu.memory_space<hbm>> -> memref<1x82x128xi32, #tpu.memory_space<hbm>>
      %dma_wait3A_112 = tpu.memref_squeeze %dma_wait3A_111 : memref<1x82x128xi32, #tpu.memory_space<hbm>> -> memref<82x128xi32, #tpu.memory_space<hbm>>
      %dma_wait3A_113 = arith.constant 0 : i32
      %dma_wait3A_114 = arith.constant 0 : i32
      %dma_wait3A_115 = tpu.memref_slice %arg4[%add3A, %dma_wait3A_113, %dma_wait3A_114] : memref<32x82x128xi32, #tpu.memory_space<hbm>> -> memref<1x82x128xi32, #tpu.memory_space<hbm>>
      %dma_wait3A_116 = tpu.memref_squeeze %dma_wait3A_115 : memref<1x82x128xi32, #tpu.memory_space<hbm>> -> memref<82x128xi32, #tpu.memory_space<hbm>>
      tpu.wait_dma2 semaphore(%run_scoped3A : memref<!tpu.dma_semaphore, #tpu.memory_space<semaphore_mem>>) src(%dma_wait3A_116 : memref<82x128xi32, #tpu.memory_space<hbm>>) dst(%arg8 : memref<82x128xi32, #tpu.memory_space<vmem>>)
      tpu.yield
    }) : () -> ()
    "tpu.region"() ({
      %run_scoped3A = tpu.sem_alloc : memref<!tpu.dma_semaphore, #tpu.memory_space<semaphore_mem>>
      tpu.enqueue_dma source(%arg5 : memref<632x8xf32, #tpu.memory_space<hbm>>) target(%arg10 : memref<632x8xf32, #tpu.memory_space<vmem>>) target_semaphore(%run_scoped3A : memref<!tpu.dma_semaphore, #tpu.memory_space<semaphore_mem>>)
      tpu.wait_dma2 semaphore(%run_scoped3A : memref<!tpu.dma_semaphore, #tpu.memory_space<semaphore_mem>>) src(%arg5 : memref<632x8xf32, #tpu.memory_space<hbm>>) dst(%arg10 : memref<632x8xf32, #tpu.memory_space<vmem>>)
      tpu.yield
    }) : () -> ()
    %mul3A_1 = arith.constant 632 : i32
    %mul3A_2 = arith.muli %arg1, %mul3A_1 : i32
    "tpu.region"() ({
      %run_scoped3A = tpu.sem_alloc : memref<!tpu.dma_semaphore, #tpu.memory_space<semaphore_mem>>
      %dma_start3A_101 = arith.constant 0 : i32
      %dma_start3A_102 = tpu.memref_slice %arg11[%mul3A_2, %dma_start3A_101] : memref<10112x8xf32, #tpu.memory_space<vmem_shared>> -> memref<632x8xf32, #tpu.memory_space<vmem_shared>>
      %dma_start3A_103 = arith.constant 0 : i32
      %dma_start3A_104 = tpu.memref_slice %arg11[%mul3A_2, %dma_start3A_103] : memref<10112x8xf32, #tpu.memory_space<vmem_shared>> -> memref<632x8xf32, #tpu.memory_space<vmem_shared>>
      tpu.enqueue_dma source(%arg10 : memref<632x8xf32, #tpu.memory_space<vmem>>) target(%dma_start3A_104 : memref<632x8xf32, #tpu.memory_space<vmem_shared>>) target_semaphore(%run_scoped3A : memref<!tpu.dma_semaphore, #tpu.memory_space<semaphore_mem>>)
      %dma_wait3A_105 = arith.constant 0 : i32
      %dma_wait3A_106 = tpu.memref_slice %arg11[%mul3A_2, %dma_wait3A_105] : memref<10112x8xf32, #tpu.memory_space<vmem_shared>> -> memref<632x8xf32, #tpu.memory_space<vmem_shared>>
      %dma_wait3A_107 = arith.constant 0 : i32
      %dma_wait3A_108 = tpu.memref_slice %arg11[%mul3A_2, %dma_wait3A_107] : memref<10112x8xf32, #tpu.memory_space<vmem_shared>> -> memref<632x8xf32, #tpu.memory_space<vmem_shared>>
      tpu.wait_dma2 semaphore(%run_scoped3A : memref<!tpu.dma_semaphore, #tpu.memory_space<semaphore_mem>>) src(%arg10 : memref<632x8xf32, #tpu.memory_space<vmem>>) dst(%dma_wait3A_108 : memref<632x8xf32, #tpu.memory_space<vmem_shared>>)
      tpu.yield
    }) : () -> ()
    %barrier3A = arith.constant 0 : index
    tpu.barrier barrier_id(%barrier3A)
    %dma_start3A = arith.constant 0 : i32
    %dma_start3A_3 = arith.constant 0 : i32
    %dma_start3A_4 = arith.constant 0 : i32
    %dma_start3A_5 = arith.constant 0 : i32
    %dma_start3A_6 = arith.constant 0 : i32
    %dma_start3A_7 = tpu.memref_slice %arg9[%dma_start3A_3, %dma_start3A_5, %dma_start3A_6] : memref<3x128x8xf32, #tpu.memory_space<vmem>> -> memref<1x128x8xf32, #tpu.memory_space<vmem>>
    %dma_start3A_8 = tpu.memref_squeeze %dma_start3A_7 : memref<1x128x8xf32, #tpu.memory_space<vmem>> -> memref<128x8xf32, #tpu.memory_space<vmem>>
    %dma_start3A_9 = arith.constant 0 : i32
    %dma_start3A_10 = tpu.memref_slice %arg7[%dma_start3A, %dma_start3A_9] : memref<82x128xi32, #tpu.memory_space<vmem>> -> memref<1x128xi32, #tpu.memory_space<vmem>>
    %dma_start3A_11 = tpu.memref_squeeze %dma_start3A_10 : memref<1x128xi32, #tpu.memory_space<vmem>> -> memref<128xi32, #tpu.memory_space<vmem>>
    %dma_start3A_12 = arith.constant 0 : i32
    %dma_start3A_13 = arith.constant 0 : i32
    %dma_start3A_14 = tpu.memref_slice %arg2[%dma_start3A_12, %dma_start3A_13] : memref<320000x8xf32, #tpu.memory_space<hbm>> -> memref<320000x8xf32, #tpu.memory_space<hbm>>
    %dma_start3A_15 = tpu.memref_slice %arg12[%dma_start3A_4] : memref<3x!tpu.dma_semaphore, #tpu.memory_space<semaphore_mem>> -> memref<1x!tpu.dma_semaphore, #tpu.memory_space<semaphore_mem>>
    %dma_start3A_16 = tpu.memref_squeeze %dma_start3A_15 : memref<1x!tpu.dma_semaphore, #tpu.memory_space<semaphore_mem>> -> memref<!tpu.dma_semaphore, #tpu.memory_space<semaphore_mem>>
    tpu.enqueue_indirect_dma source(%dma_start3A_14 : memref<320000x8xf32, #tpu.memory_space<hbm>>) target(%dma_start3A_8 : memref<128x8xf32, #tpu.memory_space<vmem>>) offsets(%dma_start3A_11 : memref<128xi32, #tpu.memory_space<vmem>>) semaphore(%dma_start3A_16 : memref<!tpu.dma_semaphore, #tpu.memory_space<semaphore_mem>>)
    %dma_start3A_17 = arith.constant 1 : i32
    %dma_start3A_18 = arith.constant 1 : i32
    %dma_start3A_19 = arith.constant 1 : i32
    %dma_start3A_20 = arith.constant 0 : i32
    %dma_start3A_21 = arith.constant 0 : i32
    %dma_start3A_22 = tpu.memref_slice %arg9[%dma_start3A_18, %dma_start3A_20, %dma_start3A_21] : memref<3x128x8xf32, #tpu.memory_space<vmem>> -> memref<1x128x8xf32, #tpu.memory_space<vmem>>
    %dma_start3A_23 = tpu.memref_squeeze %dma_start3A_22 : memref<1x128x8xf32, #tpu.memory_space<vmem>> -> memref<128x8xf32, #tpu.memory_space<vmem>>
    %dma_start3A_24 = arith.constant 0 : i32
    %dma_start3A_25 = tpu.memref_slice %arg7[%dma_start3A_17, %dma_start3A_24] : memref<82x128xi32, #tpu.memory_space<vmem>> -> memref<1x128xi32, #tpu.memory_space<vmem>>
    %dma_start3A_26 = tpu.memref_squeeze %dma_start3A_25 : memref<1x128xi32, #tpu.memory_space<vmem>> -> memref<128xi32, #tpu.memory_space<vmem>>
    %dma_start3A_27 = arith.constant 0 : i32
    %dma_start3A_28 = arith.constant 0 : i32
    %dma_start3A_29 = tpu.memref_slice %arg2[%dma_start3A_27, %dma_start3A_28] : memref<320000x8xf32, #tpu.memory_space<hbm>> -> memref<320000x8xf32, #tpu.memory_space<hbm>>
    %dma_start3A_30 = tpu.memref_slice %arg12[%dma_start3A_19] : memref<3x!tpu.dma_semaphore, #tpu.memory_space<semaphore_mem>> -> memref<1x!tpu.dma_semaphore, #tpu.memory_space<semaphore_mem>>
    %dma_start3A_31 = tpu.memref_squeeze %dma_start3A_30 : memref<1x!tpu.dma_semaphore, #tpu.memory_space<semaphore_mem>> -> memref<!tpu.dma_semaphore, #tpu.memory_space<semaphore_mem>>
    tpu.enqueue_indirect_dma source(%dma_start3A_29 : memref<320000x8xf32, #tpu.memory_space<hbm>>) target(%dma_start3A_23 : memref<128x8xf32, #tpu.memory_space<vmem>>) offsets(%dma_start3A_26 : memref<128xi32, #tpu.memory_space<vmem>>) semaphore(%dma_start3A_31 : memref<!tpu.dma_semaphore, #tpu.memory_space<semaphore_mem>>)
    %dma_wait3A = arith.constant 0 : i32
    %dma_wait3A_32 = arith.constant 0 : i32
    %dma_wait3A_33 = arith.constant 0 : i32
    %dma_wait3A_34 = arith.constant 0 : i32
    %dma_wait3A_35 = arith.constant 0 : i32
    %dma_wait3A_36 = tpu.memref_slice %arg9[%dma_wait3A_32, %dma_wait3A_34, %dma_wait3A_35] : memref<3x128x8xf32, #tpu.memory_space<vmem>> -> memref<1x128x8xf32, #tpu.memory_space<vmem>>
    %dma_wait3A_37 = tpu.memref_squeeze %dma_wait3A_36 : memref<1x128x8xf32, #tpu.memory_space<vmem>> -> memref<128x8xf32, #tpu.memory_space<vmem>>
    %dma_wait3A_38 = arith.constant 0 : i32
    %dma_wait3A_39 = tpu.memref_slice %arg7[%dma_wait3A, %dma_wait3A_38] : memref<82x128xi32, #tpu.memory_space<vmem>> -> memref<1x128xi32, #tpu.memory_space<vmem>>
    %dma_wait3A_40 = tpu.memref_squeeze %dma_wait3A_39 : memref<1x128xi32, #tpu.memory_space<vmem>> -> memref<128xi32, #tpu.memory_space<vmem>>
    %dma_wait3A_41 = arith.constant 0 : i32
    %dma_wait3A_42 = arith.constant 0 : i32
    %dma_wait3A_43 = tpu.memref_slice %arg2[%dma_wait3A_41, %dma_wait3A_42] : memref<320000x8xf32, #tpu.memory_space<hbm>> -> memref<320000x8xf32, #tpu.memory_space<hbm>>
    %dma_wait3A_44 = tpu.memref_slice %arg12[%dma_wait3A_33] : memref<3x!tpu.dma_semaphore, #tpu.memory_space<semaphore_mem>> -> memref<1x!tpu.dma_semaphore, #tpu.memory_space<semaphore_mem>>
    %dma_wait3A_45 = tpu.memref_squeeze %dma_wait3A_44 : memref<1x!tpu.dma_semaphore, #tpu.memory_space<semaphore_mem>> -> memref<!tpu.dma_semaphore, #tpu.memory_space<semaphore_mem>>
    tpu.wait_indirect_dma semaphore(%dma_wait3A_45 : memref<!tpu.dma_semaphore, #tpu.memory_space<semaphore_mem>>) src(%dma_wait3A_43 : memref<320000x8xf32, #tpu.memory_space<hbm>>) dst(%dma_wait3A_37 : memref<128x8xf32, #tpu.memory_space<vmem>>)
    %dma_start3A_46 = arith.constant 0 : i32
    %dma_start3A_47 = arith.constant 0 : i32
    %dma_start3A_48 = arith.constant 0 : i32
    %dma_start3A_49 = arith.constant 0 : i32
    %dma_start3A_50 = arith.constant 0 : i32
    %dma_start3A_51 = tpu.memref_slice %arg9[%dma_start3A_46, %dma_start3A_49, %dma_start3A_50] : memref<3x128x8xf32, #tpu.memory_space<vmem>> -> memref<1x128x8xf32, #tpu.memory_space<vmem>>
    %dma_start3A_52 = tpu.memref_squeeze %dma_start3A_51 : memref<1x128x8xf32, #tpu.memory_space<vmem>> -> memref<128x8xf32, #tpu.memory_space<vmem>>
    %dma_start3A_53 = arith.constant 0 : i32
    %dma_start3A_54 = tpu.memref_slice %arg8[%dma_start3A_47, %dma_start3A_53] : memref<82x128xi32, #tpu.memory_space<vmem>> -> memref<1x128xi32, #tpu.memory_space<vmem>>
    %dma_start3A_55 = tpu.memref_squeeze %dma_start3A_54 : memref<1x128xi32, #tpu.memory_space<vmem>> -> memref<128xi32, #tpu.memory_space<vmem>>
    %dma_start3A_56 = arith.constant 0 : i32
    %dma_start3A_57 = arith.constant 0 : i32
    %dma_start3A_58 = tpu.memref_slice %arg11[%dma_start3A_56, %dma_start3A_57] : memref<10112x8xf32, #tpu.memory_space<vmem_shared>> -> memref<10112x8xf32, #tpu.memory_space<vmem_shared>>
    %dma_start3A_59 = tpu.memref_slice %arg13[%dma_start3A_48] : memref<3x!tpu.dma_semaphore, #tpu.memory_space<semaphore_mem>> -> memref<1x!tpu.dma_semaphore, #tpu.memory_space<semaphore_mem>>
    %dma_start3A_60 = tpu.memref_squeeze %dma_start3A_59 : memref<1x!tpu.dma_semaphore, #tpu.memory_space<semaphore_mem>> -> memref<!tpu.dma_semaphore, #tpu.memory_space<semaphore_mem>>
    tpu.enqueue_indirect_dma source(%dma_start3A_52 : memref<128x8xf32, #tpu.memory_space<vmem>>) target(%dma_start3A_58 : memref<10112x8xf32, #tpu.memory_space<vmem_shared>>) offsets(%dma_start3A_55 : memref<128xi32, #tpu.memory_space<vmem>>) semaphore(%dma_start3A_60 : memref<!tpu.dma_semaphore, #tpu.memory_space<semaphore_mem>>) {add = true}
    %dma_start3A_61 = arith.constant 2 : i32
    %dma_start3A_62 = arith.constant 2 : i32
    %dma_start3A_63 = arith.constant 2 : i32
    %dma_start3A_64 = arith.constant 0 : i32
    %dma_start3A_65 = arith.constant 0 : i32
    %dma_start3A_66 = tpu.memref_slice %arg9[%dma_start3A_62, %dma_start3A_64, %dma_start3A_65] : memref<3x128x8xf32, #tpu.memory_space<vmem>> -> memref<1x128x8xf32, #tpu.memory_space<vmem>>
    %dma_start3A_67 = tpu.memref_squeeze %dma_start3A_66 : memref<1x128x8xf32, #tpu.memory_space<vmem>> -> memref<128x8xf32, #tpu.memory_space<vmem>>
    %dma_start3A_68 = arith.constant 0 : i32
    %dma_start3A_69 = tpu.memref_slice %arg7[%dma_start3A_61, %dma_start3A_68] : memref<82x128xi32, #tpu.memory_space<vmem>> -> memref<1x128xi32, #tpu.memory_space<vmem>>
    %dma_start3A_70 = tpu.memref_squeeze %dma_start3A_69 : memref<1x128xi32, #tpu.memory_space<vmem>> -> memref<128xi32, #tpu.memory_space<vmem>>
    %dma_start3A_71 = arith.constant 0 : i32
    %dma_start3A_72 = arith.constant 0 : i32
    %dma_start3A_73 = tpu.memref_slice %arg2[%dma_start3A_71, %dma_start3A_72] : memref<320000x8xf32, #tpu.memory_space<hbm>> -> memref<320000x8xf32, #tpu.memory_space<hbm>>
    %dma_start3A_74 = tpu.memref_slice %arg12[%dma_start3A_63] : memref<3x!tpu.dma_semaphore, #tpu.memory_space<semaphore_mem>> -> memref<1x!tpu.dma_semaphore, #tpu.memory_space<semaphore_mem>>
    %dma_start3A_75 = tpu.memref_squeeze %dma_start3A_74 : memref<1x!tpu.dma_semaphore, #tpu.memory_space<semaphore_mem>> -> memref<!tpu.dma_semaphore, #tpu.memory_space<semaphore_mem>>
    tpu.enqueue_indirect_dma source(%dma_start3A_73 : memref<320000x8xf32, #tpu.memory_space<hbm>>) target(%dma_start3A_67 : memref<128x8xf32, #tpu.memory_space<vmem>>) offsets(%dma_start3A_70 : memref<128xi32, #tpu.memory_space<vmem>>) semaphore(%dma_start3A_75 : memref<!tpu.dma_semaphore, #tpu.memory_space<semaphore_mem>>)
    %scan3A = arith.constant 0 : i32
    %scan3A_76 = arith.constant 0 : i32
    %scan3A_77 = arith.constant 27 : i32
    %scan3A_78 = arith.addi %scan3A_76, %scan3A_77 : i32
    %scan3A_79 = arith.constant 1 : i32
    scf.for %scan3A_101 = %scan3A_76 to %scan3A_78 step %scan3A_79  : i32 {
      %mul3A_102 = arith.constant 3 : i32
      %mul3A_103 = arith.muli %mul3A_102, %scan3A_101 : i32
      %add3A_104 = arith.constant 1 : i32
      %add3A_105 = arith.addi %mul3A_103, %add3A_104 : i32
      %add3A_106 = arith.constant 0 : i32
      %add3A_107 = arith.addi %add3A_105, %add3A_106 : i32
      %dma_wait3A_108 = arith.constant 0 : i32
      %dma_wait3A_109 = arith.constant 1 : i32
      %dma_wait3A_110 = arith.constant 1 : i32
      %dma_wait3A_111 = arith.constant 0 : i32
      %dma_wait3A_112 = arith.constant 0 : i32
      %dma_wait3A_113 = tpu.memref_slice %arg9[%dma_wait3A_109, %dma_wait3A_111, %dma_wait3A_112] : memref<3x128x8xf32, #tpu.memory_space<vmem>> -> memref<1x128x8xf32, #tpu.memory_space<vmem>>
      %dma_wait3A_114 = tpu.memref_squeeze %dma_wait3A_113 : memref<1x128x8xf32, #tpu.memory_space<vmem>> -> memref<128x8xf32, #tpu.memory_space<vmem>>
      %dma_wait3A_115 = arith.constant 0 : i32
      %dma_wait3A_116 = tpu.memref_slice %arg7[%dma_wait3A_108, %dma_wait3A_115] : memref<82x128xi32, #tpu.memory_space<vmem>> -> memref<1x128xi32, #tpu.memory_space<vmem>>
      %dma_wait3A_117 = tpu.memref_squeeze %dma_wait3A_116 : memref<1x128xi32, #tpu.memory_space<vmem>> -> memref<128xi32, #tpu.memory_space<vmem>>
      %dma_wait3A_118 = arith.constant 0 : i32
      %dma_wait3A_119 = arith.constant 0 : i32
      %dma_wait3A_120 = tpu.memref_slice %arg2[%dma_wait3A_118, %dma_wait3A_119] : memref<320000x8xf32, #tpu.memory_space<hbm>> -> memref<320000x8xf32, #tpu.memory_space<hbm>>
      %dma_wait3A_121 = tpu.memref_slice %arg12[%dma_wait3A_110] : memref<3x!tpu.dma_semaphore, #tpu.memory_space<semaphore_mem>> -> memref<1x!tpu.dma_semaphore, #tpu.memory_space<semaphore_mem>>
      %dma_wait3A_122 = tpu.memref_squeeze %dma_wait3A_121 : memref<1x!tpu.dma_semaphore, #tpu.memory_space<semaphore_mem>> -> memref<!tpu.dma_semaphore, #tpu.memory_space<semaphore_mem>>
      tpu.wait_indirect_dma semaphore(%dma_wait3A_122 : memref<!tpu.dma_semaphore, #tpu.memory_space<semaphore_mem>>) src(%dma_wait3A_120 : memref<320000x8xf32, #tpu.memory_space<hbm>>) dst(%dma_wait3A_114 : memref<128x8xf32, #tpu.memory_space<vmem>>)
      %dma_wait3A_123 = arith.constant 0 : i32
      %dma_wait3A_124 = arith.constant 0 : i32
      %dma_wait3A_125 = arith.constant 0 : i32
      %dma_wait3A_126 = arith.constant 0 : i32
      %dma_wait3A_127 = arith.constant 0 : i32
      %dma_wait3A_128 = tpu.memref_slice %arg9[%dma_wait3A_123, %dma_wait3A_126, %dma_wait3A_127] : memref<3x128x8xf32, #tpu.memory_space<vmem>> -> memref<1x128x8xf32, #tpu.memory_space<vmem>>
      %dma_wait3A_129 = tpu.memref_squeeze %dma_wait3A_128 : memref<1x128x8xf32, #tpu.memory_space<vmem>> -> memref<128x8xf32, #tpu.memory_space<vmem>>
      %dma_wait3A_130 = arith.constant 0 : i32
      %dma_wait3A_131 = tpu.memref_slice %arg8[%dma_wait3A_124, %dma_wait3A_130] : memref<82x128xi32, #tpu.memory_space<vmem>> -> memref<1x128xi32, #tpu.memory_space<vmem>>
      %dma_wait3A_132 = tpu.memref_squeeze %dma_wait3A_131 : memref<1x128xi32, #tpu.memory_space<vmem>> -> memref<128xi32, #tpu.memory_space<vmem>>
      %dma_wait3A_133 = arith.constant 0 : i32
      %dma_wait3A_134 = arith.constant 0 : i32
      %dma_wait3A_135 = tpu.memref_slice %arg11[%dma_wait3A_133, %dma_wait3A_134] : memref<10112x8xf32, #tpu.memory_space<vmem_shared>> -> memref<10112x8xf32, #tpu.memory_space<vmem_shared>>
      %dma_wait3A_136 = tpu.memref_slice %arg13[%dma_wait3A_125] : memref<3x!tpu.dma_semaphore, #tpu.memory_space<semaphore_mem>> -> memref<1x!tpu.dma_semaphore, #tpu.memory_space<semaphore_mem>>
      %dma_wait3A_137 = tpu.memref_squeeze %dma_wait3A_136 : memref<1x!tpu.dma_semaphore, #tpu.memory_space<semaphore_mem>> -> memref<!tpu.dma_semaphore, #tpu.memory_space<semaphore_mem>>
      tpu.wait_indirect_dma semaphore(%dma_wait3A_137 : memref<!tpu.dma_semaphore, #tpu.memory_space<semaphore_mem>>) src(%dma_wait3A_129 : memref<128x8xf32, #tpu.memory_space<vmem>>) dst(%dma_wait3A_135 : memref<10112x8xf32, #tpu.memory_space<vmem_shared>>)
      %add3A_138 = arith.constant 2 : i32
      %add3A_139 = arith.addi %add3A_107, %add3A_138 : i32
      %lt3A = arith.constant 82 : i32
      %lt3A_140 = arith.cmpi slt, %add3A_139, %lt3A : i32
      %convert_element_type3A = arith.extui %lt3A_140 : i1 to i32
      %cond3A = arith.constant 0 : i32
      %cond3A_141 = arith.cmpi ne, %convert_element_type3A, %cond3A : i32
      scf.if %cond3A_141 {
        %add3A_270 = arith.constant 2 : i32
        %add3A_271 = arith.addi %add3A_107, %add3A_270 : i32
        %dma_start3A_272 = arith.constant 0 : i32
        %dma_start3A_273 = arith.constant 0 : i32
        %dma_start3A_274 = arith.constant 0 : i32
        %dma_start3A_275 = arith.constant 0 : i32
        %dma_start3A_276 = tpu.memref_slice %arg9[%dma_start3A_272, %dma_start3A_274, %dma_start3A_275] : memref<3x128x8xf32, #tpu.memory_space<vmem>> -> memref<1x128x8xf32, #tpu.memory_space<vmem>>
        %dma_start3A_277 = tpu.memref_squeeze %dma_start3A_276 : memref<1x128x8xf32, #tpu.memory_space<vmem>> -> memref<128x8xf32, #tpu.memory_space<vmem>>
        %dma_start3A_278 = arith.constant 0 : i32
        %dma_start3A_279 = tpu.memref_slice %arg7[%add3A_271, %dma_start3A_278] : memref<82x128xi32, #tpu.memory_space<vmem>> -> memref<1x128xi32, #tpu.memory_space<vmem>>
        %dma_start3A_280 = tpu.memref_squeeze %dma_start3A_279 : memref<1x128xi32, #tpu.memory_space<vmem>> -> memref<128xi32, #tpu.memory_space<vmem>>
        %dma_start3A_281 = arith.constant 0 : i32
        %dma_start3A_282 = arith.constant 0 : i32
        %dma_start3A_283 = tpu.memref_slice %arg2[%dma_start3A_281, %dma_start3A_282] : memref<320000x8xf32, #tpu.memory_space<hbm>> -> memref<320000x8xf32, #tpu.memory_space<hbm>>
        %dma_start3A_284 = tpu.memref_slice %arg12[%dma_start3A_273] : memref<3x!tpu.dma_semaphore, #tpu.memory_space<semaphore_mem>> -> memref<1x!tpu.dma_semaphore, #tpu.memory_space<semaphore_mem>>
        %dma_start3A_285 = tpu.memref_squeeze %dma_start3A_284 : memref<1x!tpu.dma_semaphore, #tpu.memory_space<semaphore_mem>> -> memref<!tpu.dma_semaphore, #tpu.memory_space<semaphore_mem>>
        tpu.enqueue_indirect_dma source(%dma_start3A_283 : memref<320000x8xf32, #tpu.memory_space<hbm>>) target(%dma_start3A_277 : memref<128x8xf32, #tpu.memory_space<vmem>>) offsets(%dma_start3A_280 : memref<128xi32, #tpu.memory_space<vmem>>) semaphore(%dma_start3A_285 : memref<!tpu.dma_semaphore, #tpu.memory_space<semaphore_mem>>)
      } else {
      }
      %dma_start3A_142 = arith.constant 1 : i32
      %dma_start3A_143 = arith.constant 1 : i32
      %dma_start3A_144 = arith.constant 0 : i32
      %dma_start3A_145 = arith.constant 0 : i32
      %dma_start3A_146 = tpu.memref_slice %arg9[%dma_start3A_142, %dma_start3A_144, %dma_start3A_145] : memref<3x128x8xf32, #tpu.memory_space<vmem>> -> memref<1x128x8xf32, #tpu.memory_space<vmem>>
      %dma_start3A_147 = tpu.memref_squeeze %dma_start3A_146 : memref<1x128x8xf32, #tpu.memory_space<vmem>> -> memref<128x8xf32, #tpu.memory_space<vmem>>
      %dma_start3A_148 = arith.constant 0 : i32
      %dma_start3A_149 = tpu.memref_slice %arg8[%add3A_107, %dma_start3A_148] : memref<82x128xi32, #tpu.memory_space<vmem>> -> memref<1x128xi32, #tpu.memory_space<vmem>>
      %dma_start3A_150 = tpu.memref_squeeze %dma_start3A_149 : memref<1x128xi32, #tpu.memory_space<vmem>> -> memref<128xi32, #tpu.memory_space<vmem>>
      %dma_start3A_151 = arith.constant 0 : i32
      %dma_start3A_152 = arith.constant 0 : i32
      %dma_start3A_153 = tpu.memref_slice %arg11[%dma_start3A_151, %dma_start3A_152] : memref<10112x8xf32, #tpu.memory_space<vmem_shared>> -> memref<10112x8xf32, #tpu.memory_space<vmem_shared>>
      %dma_start3A_154 = tpu.memref_slice %arg13[%dma_start3A_143] : memref<3x!tpu.dma_semaphore, #tpu.memory_space<semaphore_mem>> -> memref<1x!tpu.dma_semaphore, #tpu.memory_space<semaphore_mem>>
      %dma_start3A_155 = tpu.memref_squeeze %dma_start3A_154 : memref<1x!tpu.dma_semaphore, #tpu.memory_space<semaphore_mem>> -> memref<!tpu.dma_semaphore, #tpu.memory_space<semaphore_mem>>
      tpu.enqueue_indirect_dma source(%dma_start3A_147 : memref<128x8xf32, #tpu.memory_space<vmem>>) target(%dma_start3A_153 : memref<10112x8xf32, #tpu.memory_space<vmem_shared>>) offsets(%dma_start3A_150 : memref<128xi32, #tpu.memory_space<vmem>>) semaphore(%dma_start3A_155 : memref<!tpu.dma_semaphore, #tpu.memory_space<semaphore_mem>>) {add = true}
      %mul3A_156 = arith.constant 3 : i32
      %mul3A_157 = arith.muli %mul3A_156, %scan3A_101 : i32
      %add3A_158 = arith.constant 1 : i32
      %add3A_159 = arith.addi %mul3A_157, %add3A_158 : i32
      %add3A_160 = arith.constant 1 : i32
      %add3A_161 = arith.addi %add3A_159, %add3A_160 : i32
      %dma_wait3A_162 = arith.constant 0 : i32
      %dma_wait3A_163 = arith.constant 2 : i32
      %dma_wait3A_164 = arith.constant 2 : i32
      %dma_wait3A_165 = arith.constant 0 : i32
      %dma_wait3A_166 = arith.constant 0 : i32
      %dma_wait3A_167 = tpu.memref_slice %arg9[%dma_wait3A_163, %dma_wait3A_165, %dma_wait3A_166] : memref<3x128x8xf32, #tpu.memory_space<vmem>> -> memref<1x128x8xf32, #tpu.memory_space<vmem>>
      %dma_wait3A_168 = tpu.memref_squeeze %dma_wait3A_167 : memref<1x128x8xf32, #tpu.memory_space<vmem>> -> memref<128x8xf32, #tpu.memory_space<vmem>>
      %dma_wait3A_169 = arith.constant 0 : i32
      %dma_wait3A_170 = tpu.memref_slice %arg7[%dma_wait3A_162, %dma_wait3A_169] : memref<82x128xi32, #tpu.memory_space<vmem>> -> memref<1x128xi32, #tpu.memory_space<vmem>>
      %dma_wait3A_171 = tpu.memref_squeeze %dma_wait3A_170 : memref<1x128xi32, #tpu.memory_space<vmem>> -> memref<128xi32, #tpu.memory_space<vmem>>
      %dma_wait3A_172 = arith.constant 0 : i32
      %dma_wait3A_173 = arith.constant 0 : i32
      %dma_wait3A_174 = tpu.memref_slice %arg2[%dma_wait3A_172, %dma_wait3A_173] : memref<320000x8xf32, #tpu.memory_space<hbm>> -> memref<320000x8xf32, #tpu.memory_space<hbm>>
      %dma_wait3A_175 = tpu.memref_slice %arg12[%dma_wait3A_164] : memref<3x!tpu.dma_semaphore, #tpu.memory_space<semaphore_mem>> -> memref<1x!tpu.dma_semaphore, #tpu.memory_space<semaphore_mem>>
      %dma_wait3A_176 = tpu.memref_squeeze %dma_wait3A_175 : memref<1x!tpu.dma_semaphore, #tpu.memory_space<semaphore_mem>> -> memref<!tpu.dma_semaphore, #tpu.memory_space<semaphore_mem>>
      tpu.wait_indirect_dma semaphore(%dma_wait3A_176 : memref<!tpu.dma_semaphore, #tpu.memory_space<semaphore_mem>>) src(%dma_wait3A_174 : memref<320000x8xf32, #tpu.memory_space<hbm>>) dst(%dma_wait3A_168 : memref<128x8xf32, #tpu.memory_space<vmem>>)
      %dma_wait3A_177 = arith.constant 1 : i32
      %dma_wait3A_178 = arith.constant 0 : i32
      %dma_wait3A_179 = arith.constant 1 : i32
      %dma_wait3A_180 = arith.constant 0 : i32
      %dma_wait3A_181 = arith.constant 0 : i32
      %dma_wait3A_182 = tpu.memref_slice %arg9[%dma_wait3A_177, %dma_wait3A_180, %dma_wait3A_181] : memref<3x128x8xf32, #tpu.memory_space<vmem>> -> memref<1x128x8xf32, #tpu.memory_space<vmem>>
      %dma_wait3A_183 = tpu.memref_squeeze %dma_wait3A_182 : memref<1x128x8xf32, #tpu.memory_space<vmem>> -> memref<128x8xf32, #tpu.memory_space<vmem>>
      %dma_wait3A_184 = arith.constant 0 : i32
      %dma_wait3A_185 = tpu.memref_slice %arg8[%dma_wait3A_178, %dma_wait3A_184] : memref<82x128xi32, #tpu.memory_space<vmem>> -> memref<1x128xi32, #tpu.memory_space<vmem>>
      %dma_wait3A_186 = tpu.memref_squeeze %dma_wait3A_185 : memref<1x128xi32, #tpu.memory_space<vmem>> -> memref<128xi32, #tpu.memory_space<vmem>>
      %dma_wait3A_187 = arith.constant 0 : i32
      %dma_wait3A_188 = arith.constant 0 : i32
      %dma_wait3A_189 = tpu.memref_slice %arg11[%dma_wait3A_187, %dma_wait3A_188] : memref<10112x8xf32, #tpu.memory_space<vmem_shared>> -> memref<10112x8xf32, #tpu.memory_space<vmem_shared>>
      %dma_wait3A_190 = tpu.memref_slice %arg13[%dma_wait3A_179] : memref<3x!tpu.dma_semaphore, #tpu.memory_space<semaphore_mem>> -> memref<1x!tpu.dma_semaphore, #tpu.memory_space<semaphore_mem>>
      %dma_wait3A_191 = tpu.memref_squeeze %dma_wait3A_190 : memref<1x!tpu.dma_semaphore, #tpu.memory_space<semaphore_mem>> -> memref<!tpu.dma_semaphore, #tpu.memory_space<semaphore_mem>>
      tpu.wait_indirect_dma semaphore(%dma_wait3A_191 : memref<!tpu.dma_semaphore, #tpu.memory_space<semaphore_mem>>) src(%dma_wait3A_183 : memref<128x8xf32, #tpu.memory_space<vmem>>) dst(%dma_wait3A_189 : memref<10112x8xf32, #tpu.memory_space<vmem_shared>>)
      %add3A_192 = arith.constant 2 : i32
      %add3A_193 = arith.addi %add3A_161, %add3A_192 : i32
      %lt3A_194 = arith.constant 82 : i32
      %lt3A_195 = arith.cmpi slt, %add3A_193, %lt3A_194 : i32
      %convert_element_type3A_196 = arith.extui %lt3A_195 : i1 to i32
      %cond3A_197 = arith.constant 0 : i32
      %cond3A_198 = arith.cmpi ne, %convert_element_type3A_196, %cond3A_197 : i32
      scf.if %cond3A_198 {
        %add3A_270 = arith.constant 2 : i32
        %add3A_271 = arith.addi %add3A_161, %add3A_270 : i32
        %dma_start3A_272 = arith.constant 1 : i32
        %dma_start3A_273 = arith.constant 1 : i32
        %dma_start3A_274 = arith.constant 0 : i32
        %dma_start3A_275 = arith.constant 0 : i32
        %dma_start3A_276 = tpu.memref_slice %arg9[%dma_start3A_272, %dma_start3A_274, %dma_start3A_275] : memref<3x128x8xf32, #tpu.memory_space<vmem>> -> memref<1x128x8xf32, #tpu.memory_space<vmem>>
        %dma_start3A_277 = tpu.memref_squeeze %dma_start3A_276 : memref<1x128x8xf32, #tpu.memory_space<vmem>> -> memref<128x8xf32, #tpu.memory_space<vmem>>
        %dma_start3A_278 = arith.constant 0 : i32
        %dma_start3A_279 = tpu.memref_slice %arg7[%add3A_271, %dma_start3A_278] : memref<82x128xi32, #tpu.memory_space<vmem>> -> memref<1x128xi32, #tpu.memory_space<vmem>>
        %dma_start3A_280 = tpu.memref_squeeze %dma_start3A_279 : memref<1x128xi32, #tpu.memory_space<vmem>> -> memref<128xi32, #tpu.memory_space<vmem>>
        %dma_start3A_281 = arith.constant 0 : i32
        %dma_start3A_282 = arith.constant 0 : i32
        %dma_start3A_283 = tpu.memref_slice %arg2[%dma_start3A_281, %dma_start3A_282] : memref<320000x8xf32, #tpu.memory_space<hbm>> -> memref<320000x8xf32, #tpu.memory_space<hbm>>
        %dma_start3A_284 = tpu.memref_slice %arg12[%dma_start3A_273] : memref<3x!tpu.dma_semaphore, #tpu.memory_space<semaphore_mem>> -> memref<1x!tpu.dma_semaphore, #tpu.memory_space<semaphore_mem>>
        %dma_start3A_285 = tpu.memref_squeeze %dma_start3A_284 : memref<1x!tpu.dma_semaphore, #tpu.memory_space<semaphore_mem>> -> memref<!tpu.dma_semaphore, #tpu.memory_space<semaphore_mem>>
        tpu.enqueue_indirect_dma source(%dma_start3A_283 : memref<320000x8xf32, #tpu.memory_space<hbm>>) target(%dma_start3A_277 : memref<128x8xf32, #tpu.memory_space<vmem>>) offsets(%dma_start3A_280 : memref<128xi32, #tpu.memory_space<vmem>>) semaphore(%dma_start3A_285 : memref<!tpu.dma_semaphore, #tpu.memory_space<semaphore_mem>>)
      } else {
      }
      %dma_start3A_199 = arith.constant 2 : i32
      %dma_start3A_200 = arith.constant 2 : i32
      %dma_start3A_201 = arith.constant 0 : i32
      %dma_start3A_202 = arith.constant 0 : i32
      %dma_start3A_203 = tpu.memref_slice %arg9[%dma_start3A_199, %dma_start3A_201, %dma_start3A_202] : memref<3x128x8xf32, #tpu.memory_space<vmem>> -> memref<1x128x8xf32, #tpu.memory_space<vmem>>
      %dma_start3A_204 = tpu.memref_squeeze %dma_start3A_203 : memref<1x128x8xf32, #tpu.memory_space<vmem>> -> memref<128x8xf32, #tpu.memory_space<vmem>>
      %dma_start3A_205 = arith.constant 0 : i32
      %dma_start3A_206 = tpu.memref_slice %arg8[%add3A_161, %dma_start3A_205] : memref<82x128xi32, #tpu.memory_space<vmem>> -> memref<1x128xi32, #tpu.memory_space<vmem>>
      %dma_start3A_207 = tpu.memref_squeeze %dma_start3A_206 : memref<1x128xi32, #tpu.memory_space<vmem>> -> memref<128xi32, #tpu.memory_space<vmem>>
      %dma_start3A_208 = arith.constant 0 : i32
      %dma_start3A_209 = arith.constant 0 : i32
      %dma_start3A_210 = tpu.memref_slice %arg11[%dma_start3A_208, %dma_start3A_209] : memref<10112x8xf32, #tpu.memory_space<vmem_shared>> -> memref<10112x8xf32, #tpu.memory_space<vmem_shared>>
      %dma_start3A_211 = tpu.memref_slice %arg13[%dma_start3A_200] : memref<3x!tpu.dma_semaphore, #tpu.memory_space<semaphore_mem>> -> memref<1x!tpu.dma_semaphore, #tpu.memory_space<semaphore_mem>>
      %dma_start3A_212 = tpu.memref_squeeze %dma_start3A_211 : memref<1x!tpu.dma_semaphore, #tpu.memory_space<semaphore_mem>> -> memref<!tpu.dma_semaphore, #tpu.memory_space<semaphore_mem>>
      tpu.enqueue_indirect_dma source(%dma_start3A_204 : memref<128x8xf32, #tpu.memory_space<vmem>>) target(%dma_start3A_210 : memref<10112x8xf32, #tpu.memory_space<vmem_shared>>) offsets(%dma_start3A_207 : memref<128xi32, #tpu.memory_space<vmem>>) semaphore(%dma_start3A_212 : memref<!tpu.dma_semaphore, #tpu.memory_space<semaphore_mem>>) {add = true}
      %mul3A_213 = arith.constant 3 : i32
      %mul3A_214 = arith.muli %mul3A_213, %scan3A_101 : i32
      %add3A_215 = arith.constant 1 : i32
      %add3A_216 = arith.addi %mul3A_214, %add3A_215 : i32
      %add3A_217 = arith.constant 2 : i32
      %add3A_218 = arith.addi %add3A_216, %add3A_217 : i32
      %dma_wait3A_219 = arith.constant 0 : i32
      %dma_wait3A_220 = arith.constant 0 : i32
      %dma_wait3A_221 = arith.constant 0 : i32
      %dma_wait3A_222 = arith.constant 0 : i32
      %dma_wait3A_223 = arith.constant 0 : i32
      %dma_wait3A_224 = tpu.memref_slice %arg9[%dma_wait3A_220, %dma_wait3A_222, %dma_wait3A_223] : memref<3x128x8xf32, #tpu.memory_space<vmem>> -> memref<1x128x8xf32, #tpu.memory_space<vmem>>
      %dma_wait3A_225 = tpu.memref_squeeze %dma_wait3A_224 : memref<1x128x8xf32, #tpu.memory_space<vmem>> -> memref<128x8xf32, #tpu.memory_space<vmem>>
      %dma_wait3A_226 = arith.constant 0 : i32
      %dma_wait3A_227 = tpu.memref_slice %arg7[%dma_wait3A_219, %dma_wait3A_226] : memref<82x128xi32, #tpu.memory_space<vmem>> -> memref<1x128xi32, #tpu.memory_space<vmem>>
      %dma_wait3A_228 = tpu.memref_squeeze %dma_wait3A_227 : memref<1x128xi32, #tpu.memory_space<vmem>> -> memref<128xi32, #tpu.memory_space<vmem>>
      %dma_wait3A_229 = arith.constant 0 : i32
      %dma_wait3A_230 = arith.constant 0 : i32
      %dma_wait3A_231 = tpu.memref_slice %arg2[%dma_wait3A_229, %dma_wait3A_230] : memref<320000x8xf32, #tpu.memory_space<hbm>> -> memref<320000x8xf32, #tpu.memory_space<hbm>>
      %dma_wait3A_232 = tpu.memref_slice %arg12[%dma_wait3A_221] : memref<3x!tpu.dma_semaphore, #tpu.memory_space<semaphore_mem>> -> memref<1x!tpu.dma_semaphore, #tpu.memory_space<semaphore_mem>>
      %dma_wait3A_233 = tpu.memref_squeeze %dma_wait3A_232 : memref<1x!tpu.dma_semaphore, #tpu.memory_space<semaphore_mem>> -> memref<!tpu.dma_semaphore, #tpu.memory_space<semaphore_mem>>
      tpu.wait_indirect_dma semaphore(%dma_wait3A_233 : memref<!tpu.dma_semaphore, #tpu.memory_space<semaphore_mem>>) src(%dma_wait3A_231 : memref<320000x8xf32, #tpu.memory_space<hbm>>) dst(%dma_wait3A_225 : memref<128x8xf32, #tpu.memory_space<vmem>>)
      %dma_wait3A_234 = arith.constant 2 : i32
      %dma_wait3A_235 = arith.constant 0 : i32
      %dma_wait3A_236 = arith.constant 2 : i32
      %dma_wait3A_237 = arith.constant 0 : i32
      %dma_wait3A_238 = arith.constant 0 : i32
      %dma_wait3A_239 = tpu.memref_slice %arg9[%dma_wait3A_234, %dma_wait3A_237, %dma_wait3A_238] : memref<3x128x8xf32, #tpu.memory_space<vmem>> -> memref<1x128x8xf32, #tpu.memory_space<vmem>>
      %dma_wait3A_240 = tpu.memref_squeeze %dma_wait3A_239 : memref<1x128x8xf32, #tpu.memory_space<vmem>> -> memref<128x8xf32, #tpu.memory_space<vmem>>
      %dma_wait3A_241 = arith.constant 0 : i32
      %dma_wait3A_242 = tpu.memref_slice %arg8[%dma_wait3A_235, %dma_wait3A_241] : memref<82x128xi32, #tpu.memory_space<vmem>> -> memref<1x128xi32, #tpu.memory_space<vmem>>
      %dma_wait3A_243 = tpu.memref_squeeze %dma_wait3A_242 : memref<1x128xi32, #tpu.memory_space<vmem>> -> memref<128xi32, #tpu.memory_space<vmem>>
      %dma_wait3A_244 = arith.constant 0 : i32
      %dma_wait3A_245 = arith.constant 0 : i32
      %dma_wait3A_246 = tpu.memref_slice %arg11[%dma_wait3A_244, %dma_wait3A_245] : memref<10112x8xf32, #tpu.memory_space<vmem_shared>> -> memref<10112x8xf32, #tpu.memory_space<vmem_shared>>
      %dma_wait3A_247 = tpu.memref_slice %arg13[%dma_wait3A_236] : memref<3x!tpu.dma_semaphore, #tpu.memory_space<semaphore_mem>> -> memref<1x!tpu.dma_semaphore, #tpu.memory_space<semaphore_mem>>
      %dma_wait3A_248 = tpu.memref_squeeze %dma_wait3A_247 : memref<1x!tpu.dma_semaphore, #tpu.memory_space<semaphore_mem>> -> memref<!tpu.dma_semaphore, #tpu.memory_space<semaphore_mem>>
      tpu.wait_indirect_dma semaphore(%dma_wait3A_248 : memref<!tpu.dma_semaphore, #tpu.memory_space<semaphore_mem>>) src(%dma_wait3A_240 : memref<128x8xf32, #tpu.memory_space<vmem>>) dst(%dma_wait3A_246 : memref<10112x8xf32, #tpu.memory_space<vmem_shared>>)
      %add3A_249 = arith.constant 2 : i32
      %add3A_250 = arith.addi %add3A_218, %add3A_249 : i32
      %lt3A_251 = arith.constant 82 : i32
      %lt3A_252 = arith.cmpi slt, %add3A_250, %lt3A_251 : i32
      %convert_element_type3A_253 = arith.extui %lt3A_252 : i1 to i32
      %cond3A_254 = arith.constant 0 : i32
      %cond3A_255 = arith.cmpi ne, %convert_element_type3A_253, %cond3A_254 : i32
      scf.if %cond3A_255 {
        %add3A_270 = arith.constant 2 : i32
        %add3A_271 = arith.addi %add3A_218, %add3A_270 : i32
        %dma_start3A_272 = arith.constant 2 : i32
        %dma_start3A_273 = arith.constant 2 : i32
        %dma_start3A_274 = arith.constant 0 : i32
        %dma_start3A_275 = arith.constant 0 : i32
        %dma_start3A_276 = tpu.memref_slice %arg9[%dma_start3A_272, %dma_start3A_274, %dma_start3A_275] : memref<3x128x8xf32, #tpu.memory_space<vmem>> -> memref<1x128x8xf32, #tpu.memory_space<vmem>>
        %dma_start3A_277 = tpu.memref_squeeze %dma_start3A_276 : memref<1x128x8xf32, #tpu.memory_space<vmem>> -> memref<128x8xf32, #tpu.memory_space<vmem>>
        %dma_start3A_278 = arith.constant 0 : i32
        %dma_start3A_279 = tpu.memref_slice %arg7[%add3A_271, %dma_start3A_278] : memref<82x128xi32, #tpu.memory_space<vmem>> -> memref<1x128xi32, #tpu.memory_space<vmem>>
        %dma_start3A_280 = tpu.memref_squeeze %dma_start3A_279 : memref<1x128xi32, #tpu.memory_space<vmem>> -> memref<128xi32, #tpu.memory_space<vmem>>
        %dma_start3A_281 = arith.constant 0 : i32
        %dma_start3A_282 = arith.constant 0 : i32
        %dma_start3A_283 = tpu.memref_slice %arg2[%dma_start3A_281, %dma_start3A_282] : memref<320000x8xf32, #tpu.memory_space<hbm>> -> memref<320000x8xf32, #tpu.memory_space<hbm>>
        %dma_start3A_284 = tpu.memref_slice %arg12[%dma_start3A_273] : memref<3x!tpu.dma_semaphore, #tpu.memory_space<semaphore_mem>> -> memref<1x!tpu.dma_semaphore, #tpu.memory_space<semaphore_mem>>
        %dma_start3A_285 = tpu.memref_squeeze %dma_start3A_284 : memref<1x!tpu.dma_semaphore, #tpu.memory_space<semaphore_mem>> -> memref<!tpu.dma_semaphore, #tpu.memory_space<semaphore_mem>>
        tpu.enqueue_indirect_dma source(%dma_start3A_283 : memref<320000x8xf32, #tpu.memory_space<hbm>>) target(%dma_start3A_277 : memref<128x8xf32, #tpu.memory_space<vmem>>) offsets(%dma_start3A_280 : memref<128xi32, #tpu.memory_space<vmem>>) semaphore(%dma_start3A_285 : memref<!tpu.dma_semaphore, #tpu.memory_space<semaphore_mem>>)
      } else {
      }
      %dma_start3A_256 = arith.constant 0 : i32
      %dma_start3A_257 = arith.constant 0 : i32
      %dma_start3A_258 = arith.constant 0 : i32
      %dma_start3A_259 = arith.constant 0 : i32
      %dma_start3A_260 = tpu.memref_slice %arg9[%dma_start3A_256, %dma_start3A_258, %dma_start3A_259] : memref<3x128x8xf32, #tpu.memory_space<vmem>> -> memref<1x128x8xf32, #tpu.memory_space<vmem>>
      %dma_start3A_261 = tpu.memref_squeeze %dma_start3A_260 : memref<1x128x8xf32, #tpu.memory_space<vmem>> -> memref<128x8xf32, #tpu.memory_space<vmem>>
      %dma_start3A_262 = arith.constant 0 : i32
      %dma_start3A_263 = tpu.memref_slice %arg8[%add3A_218, %dma_start3A_262] : memref<82x128xi32, #tpu.memory_space<vmem>> -> memref<1x128xi32, #tpu.memory_space<vmem>>
      %dma_start3A_264 = tpu.memref_squeeze %dma_start3A_263 : memref<1x128xi32, #tpu.memory_space<vmem>> -> memref<128xi32, #tpu.memory_space<vmem>>
      %dma_start3A_265 = arith.constant 0 : i32
      %dma_start3A_266 = arith.constant 0 : i32
      %dma_start3A_267 = tpu.memref_slice %arg11[%dma_start3A_265, %dma_start3A_266] : memref<10112x8xf32, #tpu.memory_space<vmem_shared>> -> memref<10112x8xf32, #tpu.memory_space<vmem_shared>>
      %dma_start3A_268 = tpu.memref_slice %arg13[%dma_start3A_257] : memref<3x!tpu.dma_semaphore, #tpu.memory_space<semaphore_mem>> -> memref<1x!tpu.dma_semaphore, #tpu.memory_space<semaphore_mem>>
      %dma_start3A_269 = tpu.memref_squeeze %dma_start3A_268 : memref<1x!tpu.dma_semaphore, #tpu.memory_space<semaphore_mem>> -> memref<!tpu.dma_semaphore, #tpu.memory_space<semaphore_mem>>
      tpu.enqueue_indirect_dma source(%dma_start3A_261 : memref<128x8xf32, #tpu.memory_space<vmem>>) target(%dma_start3A_267 : memref<10112x8xf32, #tpu.memory_space<vmem_shared>>) offsets(%dma_start3A_264 : memref<128xi32, #tpu.memory_space<vmem>>) semaphore(%dma_start3A_269 : memref<!tpu.dma_semaphore, #tpu.memory_space<semaphore_mem>>) {add = true}
    }
    %scan3A_80 = arith.constant 27 : i32
    %dma_wait3A_81 = arith.constant 0 : i32
    %dma_wait3A_82 = arith.constant 0 : i32
    %dma_wait3A_83 = arith.constant 0 : i32
    %dma_wait3A_84 = arith.constant 0 : i32
    %dma_wait3A_85 = arith.constant 0 : i32
    %dma_wait3A_86 = tpu.memref_slice %arg9[%dma_wait3A_81, %dma_wait3A_84, %dma_wait3A_85] : memref<3x128x8xf32, #tpu.memory_space<vmem>> -> memref<1x128x8xf32, #tpu.memory_space<vmem>>
    %dma_wait3A_87 = tpu.memref_squeeze %dma_wait3A_86 : memref<1x128x8xf32, #tpu.memory_space<vmem>> -> memref<128x8xf32, #tpu.memory_space<vmem>>
    %dma_wait3A_88 = arith.constant 0 : i32
    %dma_wait3A_89 = tpu.memref_slice %arg8[%dma_wait3A_82, %dma_wait3A_88] : memref<82x128xi32, #tpu.memory_space<vmem>> -> memref<1x128xi32, #tpu.memory_space<vmem>>
    %dma_wait3A_90 = tpu.memref_squeeze %dma_wait3A_89 : memref<1x128xi32, #tpu.memory_space<vmem>> -> memref<128xi32, #tpu.memory_space<vmem>>
    %dma_wait3A_91 = arith.constant 0 : i32
    %dma_wait3A_92 = arith.constant 0 : i32
    %dma_wait3A_93 = tpu.memref_slice %arg11[%dma_wait3A_91, %dma_wait3A_92] : memref<10112x8xf32, #tpu.memory_space<vmem_shared>> -> memref<10112x8xf32, #tpu.memory_space<vmem_shared>>
    %dma_wait3A_94 = tpu.memref_slice %arg13[%dma_wait3A_83] : memref<3x!tpu.dma_semaphore, #tpu.memory_space<semaphore_mem>> -> memref<1x!tpu.dma_semaphore, #tpu.memory_space<semaphore_mem>>
    %dma_wait3A_95 = tpu.memref_squeeze %dma_wait3A_94 : memref<1x!tpu.dma_semaphore, #tpu.memory_space<semaphore_mem>> -> memref<!tpu.dma_semaphore, #tpu.memory_space<semaphore_mem>>
    tpu.wait_indirect_dma semaphore(%dma_wait3A_95 : memref<!tpu.dma_semaphore, #tpu.memory_space<semaphore_mem>>) src(%dma_wait3A_87 : memref<128x8xf32, #tpu.memory_space<vmem>>) dst(%dma_wait3A_93 : memref<10112x8xf32, #tpu.memory_space<vmem_shared>>)
    %barrier3A_96 = arith.constant 0 : index
    tpu.barrier barrier_id(%barrier3A_96)
    %mul3A_97 = arith.constant 632 : i32
    %mul3A_98 = arith.muli %arg1, %mul3A_97 : i32
    "tpu.region"() ({
      %run_scoped3A = tpu.sem_alloc : memref<!tpu.dma_semaphore, #tpu.memory_space<semaphore_mem>>
      %dma_start3A_101 = arith.constant 0 : i32
      %dma_start3A_102 = tpu.memref_slice %arg11[%mul3A_98, %dma_start3A_101] : memref<10112x8xf32, #tpu.memory_space<vmem_shared>> -> memref<632x8xf32, #tpu.memory_space<vmem_shared>>
      %dma_start3A_103 = arith.constant 0 : i32
      %dma_start3A_104 = tpu.memref_slice %arg11[%mul3A_98, %dma_start3A_103] : memref<10112x8xf32, #tpu.memory_space<vmem_shared>> -> memref<632x8xf32, #tpu.memory_space<vmem_shared>>
      tpu.enqueue_dma source(%dma_start3A_104 : memref<632x8xf32, #tpu.memory_space<vmem_shared>>) target(%arg10 : memref<632x8xf32, #tpu.memory_space<vmem>>) target_semaphore(%run_scoped3A : memref<!tpu.dma_semaphore, #tpu.memory_space<semaphore_mem>>)
      %dma_wait3A_105 = arith.constant 0 : i32
      %dma_wait3A_106 = tpu.memref_slice %arg11[%mul3A_98, %dma_wait3A_105] : memref<10112x8xf32, #tpu.memory_space<vmem_shared>> -> memref<632x8xf32, #tpu.memory_space<vmem_shared>>
      %dma_wait3A_107 = arith.constant 0 : i32
      %dma_wait3A_108 = tpu.memref_slice %arg11[%mul3A_98, %dma_wait3A_107] : memref<10112x8xf32, #tpu.memory_space<vmem_shared>> -> memref<632x8xf32, #tpu.memory_space<vmem_shared>>
      tpu.wait_dma2 semaphore(%run_scoped3A : memref<!tpu.dma_semaphore, #tpu.memory_space<semaphore_mem>>) src(%dma_wait3A_108 : memref<632x8xf32, #tpu.memory_space<vmem_shared>>) dst(%arg10 : memref<632x8xf32, #tpu.memory_space<vmem>>)
      tpu.yield
    }) : () -> ()
    %mul3A_99 = arith.constant 632 : i32
    %mul3A_100 = arith.muli %arg1, %mul3A_99 : i32
    "tpu.region"() ({
      %run_scoped3A = tpu.sem_alloc : memref<!tpu.dma_semaphore, #tpu.memory_space<semaphore_mem>>
      %dma_start3A_101 = arith.constant 0 : i32
      %dma_start3A_102 = tpu.memref_slice %arg6[%arg0, %mul3A_100, %dma_start3A_101] : memref<2x10112x8xf32, #tpu.memory_space<hbm>> -> memref<1x632x8xf32, #tpu.memory_space<hbm>>
      %dma_start3A_103 = tpu.memref_squeeze %dma_start3A_102 : memref<1x632x8xf32, #tpu.memory_space<hbm>> -> memref<632x8xf32, #tpu.memory_space<hbm>>
      %dma_start3A_104 = arith.constant 0 : i32
      %dma_start3A_105 = tpu.memref_slice %arg6[%arg0, %mul3A_100, %dma_start3A_104] : memref<2x10112x8xf32, #tpu.memory_space<hbm>> -> memref<1x632x8xf32, #tpu.memory_space<hbm>>
      %dma_start3A_106 = tpu.memref_squeeze %dma_start3A_105 : memref<1x632x8xf32, #tpu.memory_space<hbm>> -> memref<632x8xf32, #tpu.memory_space<hbm>>
      tpu.enqueue_dma source(%arg10 : memref<632x8xf32, #tpu.memory_space<vmem>>) target(%dma_start3A_106 : memref<632x8xf32, #tpu.memory_space<hbm>>) target_semaphore(%run_scoped3A : memref<!tpu.dma_semaphore, #tpu.memory_space<semaphore_mem>>)
      %dma_wait3A_107 = arith.constant 0 : i32
      %dma_wait3A_108 = tpu.memref_slice %arg6[%arg0, %mul3A_100, %dma_wait3A_107] : memref<2x10112x8xf32, #tpu.memory_space<hbm>> -> memref<1x632x8xf32, #tpu.memory_space<hbm>>
      %dma_wait3A_109 = tpu.memref_squeeze %dma_wait3A_108 : memref<1x632x8xf32, #tpu.memory_space<hbm>> -> memref<632x8xf32, #tpu.memory_space<hbm>>
      %dma_wait3A_110 = arith.constant 0 : i32
      %dma_wait3A_111 = tpu.memref_slice %arg6[%arg0, %mul3A_100, %dma_wait3A_110] : memref<2x10112x8xf32, #tpu.memory_space<hbm>> -> memref<1x632x8xf32, #tpu.memory_space<hbm>>
      %dma_wait3A_112 = tpu.memref_squeeze %dma_wait3A_111 : memref<1x632x8xf32, #tpu.memory_space<hbm>> -> memref<632x8xf32, #tpu.memory_space<hbm>>
      tpu.wait_dma2 semaphore(%run_scoped3A : memref<!tpu.dma_semaphore, #tpu.memory_space<semaphore_mem>>) src(%arg10 : memref<632x8xf32, #tpu.memory_space<vmem>>) dst(%dma_wait3A_112 : memref<632x8xf32, #tpu.memory_space<hbm>>)
      tpu.yield
    }) : () -> ()
    return
  }
}

module attributes {stable_mosaic.version = 14 : i64} {
  func.func @_tc_combine_kernel(%arg0: i32, %arg1: memref<2x632x128xf32, #tpu.memory_space<vmem>>, %arg2: memref<632x128xf32, #tpu.memory_space<vmem>>) attributes {dimension_semantics = [#tpu.dimension_semantics<arbitrary>], iteration_bounds = array<i64: 1>, scalar_prefetch = 0 : i64, scratch_operands = 0 : i64, tpu.core_type = #tpu.core_type<tc>, window_params = [{pipeline_mode = #tpu.pipeline_mode<synchronous>, transform_indices = @transform_0, window_bounds = array<i64: 2, 632, 128>}, {pipeline_mode = #tpu.pipeline_mode<synchronous>, transform_indices = @transform_1, window_bounds = array<i64: 632, 128>}]} {
    %get3A = arith.constant 0 : index
    %get3A_0 = arith.constant 0 : index
    %get3A_1 = arith.constant 0 : index
    %get3A_2 = vector.load %arg1[%get3A, %get3A_0, %get3A_1] : memref<2x632x128xf32, #tpu.memory_space<vmem>>, vector<1x632x128xf32>
    %get3A_3 = vector.shape_cast %get3A_2 : vector<1x632x128xf32> to vector<632x128xf32>
    %get3A_4 = arith.constant 1 : index
    %get3A_5 = arith.constant 0 : index
    %get3A_6 = arith.constant 0 : index
    %get3A_7 = vector.load %arg1[%get3A_4, %get3A_5, %get3A_6] : memref<2x632x128xf32, #tpu.memory_space<vmem>>, vector<1x632x128xf32>
    %get3A_8 = vector.shape_cast %get3A_7 : vector<1x632x128xf32> to vector<632x128xf32>
    %add3A = arith.addf %get3A_3, %get3A_8 : vector<632x128xf32>
    %swap3A = arith.constant 0 : index
    %swap3A_9 = arith.constant 0 : index
    %swap3A_10 = vector.load %arg2[%swap3A, %swap3A_9] : memref<632x128xf32, #tpu.memory_space<vmem>>, vector<632x128xf32>
    tpu.vector_store %arg2[%swap3A, %swap3A_9], %add3A {strides = array<i32>} : memref<632x128xf32, #tpu.memory_space<vmem>>, vector<632x128xf32>,
    return
  }
  func.func @transform_0(%arg0: i32) -> (i32, i32, i32) {
    %c0_i32 = arith.constant 0 : i32
    %c0_i32_0 = arith.constant 0 : i32
    %c0_i32_1 = arith.constant 0 : i32
    %c0_i32_2 = arith.constant 0 : i32
    return %c0_i32, %c0_i32_0, %c0_i32_1 : i32, i32, i32
  }
  func.func @transform_1(%arg0: i32) -> (i32, i32) {
    %c0_i32 = arith.constant 0 : i32
    %c0_i32_0 = arith.constant 0 : i32
    %c0_i32_1 = arith.constant 0 : i32
    return %c0_i32, %c0_i32_0 : i32, i32
  }
}

module attributes {stable_mosaic.version = 14 : i64} {
  func.func @_tc_table_kernel(%arg0: i32, %arg1: memref<10000x128xf32, #tpu.memory_space<vmem>>, %arg2: memref<128x128xf32, #tpu.memory_space<vmem>>, %arg3: memref<1x128xf32, #tpu.memory_space<vmem>>, %arg4: memref<1312x2x128xi32, #tpu.memory_space<vmem>>, %arg5: memref<1312x128xi32, #tpu.memory_space<vmem>>, %arg6: memref<1x10000x128xf32, #tpu.memory_space<vmem>>, %arg7: memref<1312x128xi32, #tpu.memory_space<vmem>>, %arg8: memref<1312x128xi32, #tpu.memory_space<vmem>>) attributes {dimension_semantics = [#tpu.dimension_semantics<arbitrary>], iteration_bounds = array<i64: 2>, scalar_prefetch = 0 : i64, scratch_operands = 0 : i64, tpu.core_type = #tpu.core_type<tc>, window_params = [{pipeline_mode = #tpu.pipeline_mode<synchronous>, transform_indices = @transform_0, window_bounds = array<i64: 10000, 128>}, {transform_indices = @transform_1, window_bounds = array<i64: 128, 128>}, {pipeline_mode = #tpu.pipeline_mode<synchronous>, transform_indices = @transform_2, window_bounds = array<i64: 1, 128>}, {transform_indices = @transform_3, window_bounds = array<i64: 1312, 2, 128>}, {transform_indices = @transform_4, window_bounds = array<i64: 1312, 128>}, {transform_indices = @transform_5, window_bounds = array<i64: 1, 10000, 128>}, {transform_indices = @transform_6, window_bounds = array<i64: 1312, 128>}, {transform_indices = @transform_7, window_bounds = array<i64: 1312, 128>}]} {
    %get3A = arith.constant 0 : index
    %get3A_0 = arith.constant 0 : index
    %get3A_1 = vector.load %arg1[%get3A, %get3A_0] : memref<10000x128xf32, #tpu.memory_space<vmem>>, vector<10000x128xf32>
    %get3A_2 = arith.constant 0 : index
    %get3A_3 = arith.constant 0 : index
    %get3A_4 = vector.load %arg2[%get3A_2, %get3A_3] : memref<128x128xf32, #tpu.memory_space<vmem>>, vector<128x128xf32>
    %dot_general3A = arith.constant dense<0.000000e+00> : vector<10000x128xf32>
    %dot_general3A_5 = tpu.matmul %get3A_1, %get3A_4, %dot_general3A {dimension_numbers = #tpu.dot_dimension_numbers<[1], [0], [0], [1], [0, 0, 1, 1], [], []>, transpose_lhs_hint = false} : vector<10000x128xf32>, vector<128x128xf32>, vector<10000x128xf32> -> vector<10000x128xf32>
    %eq3A = arith.constant 1 : i32
    %eq3A_6 = arith.cmpi eq, %arg0, %eq3A : i32
    %convert_element_type3A = arith.extui %eq3A_6 : i1 to i32
    %cond3A = arith.constant 0 : i32
    %cond3A_7 = arith.cmpi ne, %convert_element_type3A, %cond3A : i32
    scf.if %cond3A_7 {
      %get3A_114 = arith.constant 0 : index
      %get3A_115 = arith.constant 0 : index
      %get3A_116 = vector.load %arg3[%get3A_114, %get3A_115] : memref<1x128xf32, #tpu.memory_space<vmem>>, vector<1x128xf32>
      %add3A_117 = vector.broadcast %get3A_116 : vector<1x128xf32> to vector<10000x128xf32>
      %add3A_118 = arith.addf %dot_general3A_5, %add3A_117 : vector<10000x128xf32>
      %swap3A_119 = arith.constant 0 : index
      %swap3A_120 = arith.constant 0 : index
      %swap3A_121 = arith.constant 0 : index
      %swap3A_122 = vector.load %arg6[%swap3A_119, %swap3A_120, %swap3A_121] : memref<1x10000x128xf32, #tpu.memory_space<vmem>>, vector<1x10000x128xf32>
      %swap3A_123 = vector.shape_cast %swap3A_122 : vector<1x10000x128xf32> to vector<10000x128xf32>
      %swap3A_124 = vector.shape_cast %add3A_118 : vector<10000x128xf32> to vector<1x10000x128xf32>
      tpu.vector_store %arg6[%swap3A_119, %swap3A_120, %swap3A_121], %swap3A_124 {strides = array<i32>} : memref<1x10000x128xf32, #tpu.memory_space<vmem>>, vector<1x10000x128xf32>,
    } else {
    }
    %ne3A = arith.constant 1 : i32
    %ne3A_8 = arith.cmpi ne, %arg0, %ne3A : i32
    %convert_element_type3A_9 = arith.extui %ne3A_8 : i1 to i32
    %cond3A_10 = arith.constant 0 : i32
    %cond3A_11 = arith.cmpi ne, %convert_element_type3A_9, %cond3A_10 : i32
    scf.if %cond3A_11 {
      %swap3A_114 = arith.constant 0 : index
      %swap3A_115 = arith.constant 0 : index
      %swap3A_116 = arith.constant 0 : index
      %swap3A_117 = vector.load %arg6[%swap3A_114, %swap3A_115, %swap3A_116] : memref<1x10000x128xf32, #tpu.memory_space<vmem>>, vector<1x10000x128xf32>
      %swap3A_118 = vector.shape_cast %swap3A_117 : vector<1x10000x128xf32> to vector<10000x128xf32>
      %swap3A_119 = vector.shape_cast %dot_general3A_5 : vector<10000x128xf32> to vector<1x10000x128xf32>
      tpu.vector_store %arg6[%swap3A_114, %swap3A_115, %swap3A_116], %swap3A_119 {strides = array<i32>} : memref<1x10000x128xf32, #tpu.memory_space<vmem>>, vector<1x10000x128xf32>,
    } else {
    }
    %iota3A = tpu.iota {dimensions = array<i32: 0>} : vector<1312x128xi32>
    %mul3A = arith.constant 128 : i32
    %mul3A_12 = vector.broadcast %mul3A : i32 to vector<1312x128xi32>
    %mul3A_13 = arith.muli %iota3A, %mul3A_12 : vector<1312x128xi32>
    %iota3A_14 = tpu.iota {dimensions = array<i32: 1>} : vector<1312x128xi32>
    %add3A = arith.addi %mul3A_13, %iota3A_14 : vector<1312x128xi32>
    %mul3A_15 = arith.constant 167936 : i32
    %mul3A_16 = arith.muli %arg0, %mul3A_15 : i32
    %add3A_17 = vector.broadcast %mul3A_16 : i32 to vector<1312x128xi32>
    %add3A_18 = arith.addi %add3A, %add3A_17 : vector<1312x128xi32>
    %sub3A = arith.constant 320000 : i32
    %sub3A_19 = vector.broadcast %sub3A : i32 to vector<1312x128xi32>
    %sub3A_20 = arith.subi %add3A_18, %sub3A_19 : vector<1312x128xi32>
    %lt3A = arith.constant 320000 : i32
    %lt3A_21 = vector.broadcast %lt3A : i32 to vector<1312x128xi32>
    %lt3A_22 = arith.cmpi slt, %add3A_18, %lt3A_21 : vector<1312x128xi32>
    %get3A_23 = arith.constant 0 : index
    %get3A_24 = arith.constant 0 : index
    %get3A_25 = vector.load %arg5[%get3A_23, %get3A_24] : memref<1312x128xi32, #tpu.memory_space<vmem>>, vector<1312x128xi32>
    %jit3A = arith.constant 19 : i32
    %broadcast_in_dim3A = vector.broadcast %jit3A : i32 to vector<1312x128xi32>
    %select_n3A = arith.select %lt3A_22, %get3A_25, %broadcast_in_dim3A : vector<1312x128xi1>, vector<1312x128xi32>
    %lt3A_26 = arith.constant 320000 : i32
    %lt3A_27 = vector.broadcast %lt3A_26 : i32 to vector<1312x128xi32>
    %lt3A_28 = arith.cmpi slt, %add3A_18, %lt3A_27 : vector<1312x128xi32>
    %get3A_29 = arith.constant 0 : index
    %get3A_30 = arith.constant 0 : index
    %get3A_31 = arith.constant 0 : index
    %get3A_32 = vector.load %arg4[%get3A_29, %get3A_30, %get3A_31] : memref<1312x2x128xi32, #tpu.memory_space<vmem>>, vector<1312x1x128xi32>
    %get3A_33 = vector.shape_cast %get3A_32 : vector<1312x1x128xi32> to vector<1312x128xi32>
    %select_n3A_34 = arith.select %lt3A_28, %get3A_33, %sub3A_20 : vector<1312x128xi1>, vector<1312x128xi32>
    %ge3A = arith.constant 330000 : i32
    %ge3A_35 = vector.broadcast %ge3A : i32 to vector<1312x128xi32>
    %ge3A_36 = arith.cmpi sge, %add3A_18, %ge3A_35 : vector<1312x128xi32>
    %jit3A_37 = arith.constant 16 : i32
    %div3A = vector.broadcast %jit3A_37 : i32 to vector<1312x128xi32>
    %div3A_38 = arith.divsi %select_n3A, %div3A : vector<1312x128xi32>
    %sign3A = arith.constant 0 : i32
    %sign3A_39 = vector.broadcast %sign3A : i32 to vector<1312x128xi32>
    %sign3A_40 = arith.cmpi sgt, %select_n3A, %sign3A_39 : vector<1312x128xi32>
    %sign3A_41 = arith.extui %sign3A_40 : vector<1312x128xi1> to vector<1312x128xi32>
    %sign3A_42 = arith.constant 0 : i32
    %sign3A_43 = vector.broadcast %sign3A_42 : i32 to vector<1312x128xi32>
    %sign3A_44 = arith.cmpi slt, %select_n3A, %sign3A_43 : vector<1312x128xi32>
    %sign3A_45 = arith.extui %sign3A_44 : vector<1312x128xi1> to vector<1312x128xi32>
    %sign3A_46 = arith.subi %sign3A_41, %sign3A_45 : vector<1312x128xi32>
    %sign3A_47 = arith.constant 0 : i32
    %sign3A_48 = arith.cmpi sgt, %jit3A_37, %sign3A_47 : i32
    %sign3A_49 = arith.extui %sign3A_48 : i1 to i32
    %sign3A_50 = arith.constant 0 : i32
    %sign3A_51 = arith.cmpi slt, %jit3A_37, %sign3A_50 : i32
    %sign3A_52 = arith.extui %sign3A_51 : i1 to i32
    %sign3A_53 = arith.subi %sign3A_49, %sign3A_52 : i32
    %ne3A_54 = vector.broadcast %sign3A_53 : i32 to vector<1312x128xi32>
    %ne3A_55 = arith.cmpi ne, %sign3A_46, %ne3A_54 : vector<1312x128xi32>
    %rem3A = vector.broadcast %jit3A_37 : i32 to vector<1312x128xi32>
    %rem3A_56 = arith.remsi %select_n3A, %rem3A : vector<1312x128xi32>
    %ne3A_57 = arith.constant 0 : i32
    %ne3A_58 = vector.broadcast %ne3A_57 : i32 to vector<1312x128xi32>
    %ne3A_59 = arith.cmpi ne, %rem3A_56, %ne3A_58 : vector<1312x128xi32>
    %and3A = arith.andi %ne3A_55, %ne3A_59 : vector<1312x128xi1>
    %sub3A_60 = arith.constant 1 : i32
    %sub3A_61 = vector.broadcast %sub3A_60 : i32 to vector<1312x128xi32>
    %sub3A_62 = arith.subi %div3A_38, %sub3A_61 : vector<1312x128xi32>
    %select_n3A_63 = arith.select %and3A, %sub3A_62, %div3A_38 : vector<1312x128xi1>, vector<1312x128xi32>
    %mul3A_64 = arith.constant 160000 : i32
    %mul3A_65 = vector.broadcast %mul3A_64 : i32 to vector<1312x128xi32>
    %mul3A_66 = arith.muli %select_n3A_63, %mul3A_65 : vector<1312x128xi32>
    %mul3A_67 = arith.constant 16 : i32
    %mul3A_68 = vector.broadcast %mul3A_67 : i32 to vector<1312x128xi32>
    %mul3A_69 = arith.muli %select_n3A_34, %mul3A_68 : vector<1312x128xi32>
    %add3A_70 = arith.addi %mul3A_66, %mul3A_69 : vector<1312x128xi32>
    %jit3A_71 = arith.constant 16 : i32
    %eq3A_72 = arith.constant 0 : i32
    %eq3A_73 = arith.cmpi eq, %jit3A_71, %eq3A_72 : i32
    %jit3A_74 = arith.constant 1 : i32
    %select_n3A_75 = arith.select %eq3A_73, %jit3A_74, %jit3A_71 : i32
    %rem3A_76 = vector.broadcast %select_n3A_75 : i32 to vector<1312x128xi32>
    %rem3A_77 = arith.remsi %select_n3A, %rem3A_76 : vector<1312x128xi32>
    %ne3A_78 = arith.constant 0 : i32
    %ne3A_79 = vector.broadcast %ne3A_78 : i32 to vector<1312x128xi32>
    %ne3A_80 = arith.cmpi ne, %rem3A_77, %ne3A_79 : vector<1312x128xi32>
    %lt3A_81 = arith.constant 0 : i32
    %lt3A_82 = vector.broadcast %lt3A_81 : i32 to vector<1312x128xi32>
    %lt3A_83 = arith.cmpi slt, %rem3A_77, %lt3A_82 : vector<1312x128xi32>
    %lt3A_84 = arith.constant 0 : i32
    %lt3A_85 = arith.cmpi slt, %select_n3A_75, %lt3A_84 : i32
    %ne3A_86 = vector.broadcast %lt3A_85 : i1 to vector<1312x128xi1>
    %ne3A_87 = vector.broadcast %ne3A_86 : vector<1312x128xi1> to vector<1312x128xi1>
    %ne3A_88 = arith.xori %lt3A_83, %ne3A_87 : vector<1312x128xi1>
    %and3A_89 = arith.andi %ne3A_88, %ne3A_80 : vector<1312x128xi1>
    %add3A_90 = vector.broadcast %select_n3A_75 : i32 to vector<1312x128xi32>
    %add3A_91 = arith.addi %rem3A_77, %add3A_90 : vector<1312x128xi32>
    %select_n3A_92 = arith.select %and3A_89, %add3A_91, %rem3A_77 : vector<1312x128xi1>, vector<1312x128xi32>
    %add3A_93 = arith.addi %add3A_70, %select_n3A_92 : vector<1312x128xi32>
    %jit3A_94 = arith.constant 0 : i32
    %broadcast_in_dim3A_95 = vector.broadcast %jit3A_94 : i32 to vector<1312x128xi32>
    %select_n3A_96 = arith.select %ge3A_36, %broadcast_in_dim3A_95, %add3A_93 : vector<1312x128xi1>, vector<1312x128xi32>
    %swap3A = arith.constant 0 : index
    %swap3A_97 = arith.constant 0 : index
    %swap3A_98 = vector.load %arg7[%swap3A, %swap3A_97] : memref<1312x128xi32, #tpu.memory_space<vmem>>, vector<1312x128xi32>
    tpu.vector_store %arg7[%swap3A, %swap3A_97], %select_n3A_96 {strides = array<i32>} : memref<1312x128xi32, #tpu.memory_space<vmem>>, vector<1312x128xi32>,
    %lt3A_99 = arith.constant 320000 : i32
    %lt3A_100 = vector.broadcast %lt3A_99 : i32 to vector<1312x128xi32>
    %lt3A_101 = arith.cmpi slt, %add3A_18, %lt3A_100 : vector<1312x128xi32>
    %get3A_102 = arith.constant 0 : index
    %get3A_103 = arith.constant 1 : index
    %get3A_104 = arith.constant 0 : index
    %get3A_105 = vector.load %arg4[%get3A_102, %get3A_103, %get3A_104] : memref<1312x2x128xi32, #tpu.memory_space<vmem>>, vector<1312x1x128xi32>
    %get3A_106 = vector.shape_cast %get3A_105 : vector<1312x1x128xi32> to vector<1312x128xi32>
    %select_n3A_107 = arith.select %lt3A_101, %get3A_106, %sub3A_20 : vector<1312x128xi1>, vector<1312x128xi32>
    %jit3A_108 = arith.constant 10000 : i32
    %broadcast_in_dim3A_109 = vector.broadcast %jit3A_108 : i32 to vector<1312x128xi32>
    %select_n3A_110 = arith.select %ge3A_36, %broadcast_in_dim3A_109, %select_n3A_107 : vector<1312x128xi1>, vector<1312x128xi32>
    %swap3A_111 = arith.constant 0 : index
    %swap3A_112 = arith.constant 0 : index
    %swap3A_113 = vector.load %arg8[%swap3A_111, %swap3A_112] : memref<1312x128xi32, #tpu.memory_space<vmem>>, vector<1312x128xi32>
    tpu.vector_store %arg8[%swap3A_111, %swap3A_112], %select_n3A_110 {strides = array<i32>} : memref<1312x128xi32, #tpu.memory_space<vmem>>, vector<1312x128xi32>,
    return
  }
  func.func @transform_0(%arg0: i32) -> (i32, i32) {
    %c0_i32 = arith.constant 0 : i32
    %c0_i32_0 = arith.constant 0 : i32
    %c0_i32_1 = arith.constant 0 : i32
    return %c0_i32, %c0_i32_0 : i32, i32
  }
  func.func @transform_1(%arg0: i32) -> (i32, i32) {
    %c0_i32 = arith.constant 0 : i32
    %c0_i32_0 = arith.constant 0 : i32
    return %c0_i32, %arg0 : i32, i32
  }
  func.func @transform_2(%arg0: i32) -> (i32, i32) {
    %c0_i32 = arith.constant 0 : i32
    %c0_i32_0 = arith.constant 0 : i32
    %c0_i32_1 = arith.constant 0 : i32
    return %c0_i32, %c0_i32_0 : i32, i32
  }
  func.func @transform_3(%arg0: i32) -> (i32, i32, i32) {
    %c0_i32 = arith.constant 0 : i32
    %c0_i32_0 = arith.constant 0 : i32
    %c0_i32_1 = arith.constant 0 : i32
    return %arg0, %c0_i32, %c0_i32_0 : i32, i32, i32
  }
  func.func @transform_4(%arg0: i32) -> (i32, i32) {
    %c0_i32 = arith.constant 0 : i32
    %c0_i32_0 = arith.constant 0 : i32
    return %arg0, %c0_i32 : i32, i32
  }
  func.func @transform_5(%arg0: i32) -> (i32, i32, i32) {
    %c0_i32 = arith.constant 0 : i32
    %c0_i32_0 = arith.constant 0 : i32
    %c0_i32_1 = arith.constant 0 : i32
    return %arg0, %c0_i32, %c0_i32_0 : i32, i32, i32
  }
  func.func @transform_6(%arg0: i32) -> (i32, i32) {
    %c0_i32 = arith.constant 0 : i32
    %c0_i32_0 = arith.constant 0 : i32
    return %arg0, %c0_i32 : i32, i32
  }
  func.func @transform_7(%arg0: i32) -> (i32, i32) {
    %c0_i32 = arith.constant 0 : i32
    %c0_i32_0 = arith.constant 0 : i32
    return %arg0, %c0_i32 : i32, i32
  }
}

</mosaic_0001>

<sc_bundles>
// kernel: kernel.5.cloned.1.call-start
scs
__scs_entry_jumppad:
0x0: {  	(pc) =	sbr.rel $0x88, $3  }
0x1: {  	(tag) =	ssettag $0x0;
	lr =	simm.s32 $0x1  }
0x2: {  	[smem:$0x3F9B] =	sst lr;
	_ =	strace $0xD0000000  }
0x3: {  	_ = 	snop  }
0x4: {  	_ = 	snop  }
0x5: {  	_ = 	snop  }
0x6: {  	_ = 	snop  }
0x7: {  	_ = 	snop  }
__scs_overlays_trampoline_lowered:
0x8: {  	[smem:$0x3FAA] =	sst s0  }
0x9: {  	[smem:$0x3FAB] =	sst s1  }
0xa: {  	[smem:$0x3FAC] =	sst s2  }
0xb: {  	[smem:$0x3FAD] =	sst s3  }
0xc: {  	[smem:$0x3FAE] =	sst s4  }
0xd: {  	[smem:$0x3FAF] =	sst s5  }
0xe: {  	[smem:$0x3FB0] =	sst s6  }
0xf: {  	[smem:$0x3FB1] =	sst s7  }
0x10: {  	[smem:$0x3FB2] =	sst s8  }
0x11: {  	[smem:$0x3FB3] =	sst s9;
	s0 =	simm.s32 @!p0 $0x0  }
0x12: {  	s1 =	sld [smem:$0x3F99];
	s0 =	simm.s32 @p0 $0x1  }
0x13: {  	[smem:$0x3FB4] =	sst s0;
	s0 =	simm.s32 @!p1 $0x0  }
0x14: {  	s2 =	sld [smem:$0x3F98];
	s0 =	simm.s32 @p1 $0x1  }
0x15: {  	[smem:$0x3FB5] =	sst s0;
	s0 =	simm.s32 @!p2 $0x0  }
0x16: {  	s3 =	sld [smem:$0x3FDB];
	s0 =	simm.s32 @p2 $0x1  }
0x17: {  	s4 =	simm.s32 $0x1BF5;
	[smem:$0x3FB7] =	sst s0  }
0x18: {  	s0 =	sld [smem:$0x3F9A];
	_ =	swait.ge [sflag:s4], $0x0  }
0x19: {  	s7 =	sld [smem:$0x3F9B]  }
0x1a: {  	s8 =	sadd.s32 $0xFFFFE003, lr  }
0x1b: {  	s9 =	sadd.s32 $0xFFFFFEF7, lr;
	s5 =	simm.s32 $0xFFFFFFFF;
	p2 =	slt.u32 s8, $0xFFFFF086  }
0x1c: {  	p1 =	slt.u32 s9, $0xF7A;
	s5 =	simm.s32 @!p2 $0x0  }
0x1d: {  	s5 =	simm.s32 @p1 $0x1;
	p0 =	seq.s32 s7, s2  }
0x1e: {  	s7 =	smul.u32 @!p0 $0xF7A, s2;
	p2 =	seq.s32 @!p0 s5, $0x0  }
0x1f: {  	s9 =	smul.u32 $0xF7A, s1;
	s8 =	simm.s32 @!p0 $0x1BF5;
	p2 =	por !p2, p0  }
0x20: {  	[sflag:s8] =	ssyncset.s32 @!p0 $0xFFFFF086;
	s6 =	sadd.s32 @!p0 s3, s7;
	s7 =	simm.s32 @!p0 $0x108  }
0x21: {  	s3 =	sadd.s32 s3, s9;
	s6 =	sadd.s32 @!p0 $0x88, s6;
	s7 =	simm.s32 @p2 $0x1082  }
0x22: {  	[simem:s7], [sflag:s8] =	dma.local @!p0 [hbm:s6], $0xF7A  }
0x23: {  	s9 =	sor.u32 $0xD0000000, s2;
	s6 =	simm.s32 $0x108;
	_ =	swait.ge @!p0 [sflag:s8], $0x0  }
0x24: {  	s3 =	sadd.s32 $0x88, s3;
	s6 =	simm.s32 @!p1 $0x1082;
	[sflag:s4] =	ssyncset.s32 $0xFFFFF086  }
0x25: {  	[simem:s6], [sflag:s4] =	dma.local [hbm:s3], $0xF7A  }
0x26: {  	[smem:$0x3F9B] =	sst s1;
	(tag) =	ssettag s2;
	_ =	strace s9  }
0x27: {  	s1 =	sld [smem:$0x3FAB]  }
0x28: {  	s2 =	sld [smem:$0x3FAC]  }
0x29: {  	s4 =	sld [smem:$0x3FAE]  }
0x2a: {  	p0 =	seq.s32 s5, $0x0;
	s5 =	sld [smem:$0x3FAF]  }
0x2b: {  	s6 =	sld [smem:$0x3FB0]  }
0x2c: {  	s7 =	sld [smem:$0x3FB1]  }
0x2d: {  	s3 =	simm.s32 $0x108;
	s8 =	sld [smem:$0x3FB2]  }
0x2e: {  	s3 =	simm.s32 @!p0 $0x1082;
	s9 =	sld [smem:$0x3FB3]  }
0x2f: {  	lr =	sadd.s32 s0, s3;
	s0 =	sld [smem:$0x3FAA]  }
0x30: {  	s3 =	sld [smem:$0x3FAD]  }
0x31: {  	[smem:$0x3FB6] =	sst s10  }
0x32: {  	s10 =	sld [smem:$0x3FB4];
	_ =	sdelay $0x3  }
0x33: {  	p0 =	seq.s32 s10, $0x1;
	s10 =	sld [smem:$0x3FB6];
	_ =	sdelay $0x3  }
0x34: {  	[smem:$0x3FB6] =	sst s10  }
0x35: {  	s10 =	sld [smem:$0x3FB5];
	_ =	sdelay $0x3  }
0x36: {  	p1 =	seq.s32 s10, $0x1;
	s10 =	sld [smem:$0x3FB6];
	_ =	sdelay $0x3  }
0x37: {  	[smem:$0x3FB6] =	sst s10  }
0x38: {  	s10 =	sld [smem:$0x3FB7]  }
0x39: {  	_ = 	snop;
	(pc) =	sbr.ind lr, $3  }
0x3a: {  	_ = 	snop  }
0x3b: {  	_ = 	snop  }
0x3c: {  	p2 =	seq.s32 s10, $0x1;
	s10 =	sld [smem:$0x3FB6]  }
0x3d: {  	_ =	shalt  }
0x3e: {  	_ =	shalt  }
0x3f: {  	_ =	shalt  }
0x40: {  	_ =	shalt  }
0x41: {  	_ =	shalt  }
0x42: {  	_ =	shalt  }
0x43: {  	_ =	shalt  }
0x44: {  	_ =	shalt  }
0x45: {  	_ =	shalt  }
0x46: {  	_ =	shalt  }
0x47: {  	_ =	shalt  }
0x48: {  	_ =	shalt  }
0x49: {  	_ =	shalt  }
0x4a: {  	_ =	shalt  }
0x4b: {  	_ =	shalt  }
0x4c: {  	_ =	shalt  }
0x4d: {  	_ =	shalt  }
0x4e: {  	_ =	shalt  }
0x4f: {  	_ =	shalt  }
0x50: {  	_ =	shalt  }
0x51: {  	_ =	shalt  }
0x52: {  	_ =	shalt  }
0x53: {  	_ =	shalt  }
0x54: {  	_ =	shalt  }
0x55: {  	_ =	shalt  }
0x56: {  	_ =	shalt  }
0x57: {  	_ =	shalt  }
0x58: {  	_ =	shalt  }
0x59: {  	_ =	shalt  }
0x5a: {  	_ =	shalt  }
0x5b: {  	_ =	shalt  }
0x5c: {  	_ =	shalt  }
0x5d: {  	_ =	shalt  }
0x5e: {  	_ =	shalt  }
0x5f: {  	_ =	shalt  }
0x60: {  	_ =	shalt  }
0x61: {  	_ =	shalt  }
0x62: {  	_ =	shalt  }
0x63: {  	_ =	shalt  }
0x64: {  	_ =	shalt  }
0x65: {  	_ =	shalt  }
0x66: {  	_ =	shalt  }
0x67: {  	_ =	shalt  }
0x68: {  	_ =	shalt  }
0x69: {  	_ =	shalt  }
0x6a: {  	_ =	shalt  }
0x6b: {  	_ =	shalt  }
0x6c: {  	_ =	shalt  }
0x6d: {  	_ =	shalt  }
0x6e: {  	_ =	shalt  }
0x6f: {  	_ =	shalt  }
0x70: {  	_ =	shalt  }
0x71: {  	_ =	shalt  }
0x72: {  	_ =	shalt  }
0x73: {  	_ =	shalt  }
0x74: {  	_ =	shalt  }
0x75: {  	_ =	shalt  }
0x76: {  	_ =	shalt  }
0x77: {  	_ =	shalt  }
0x78: {  	_ =	shalt  }
0x79: {  	_ =	shalt  }
0x7a: {  	_ =	shalt  }
0x7b: {  	_ =	shalt  }
0x7c: {  	_ =	shalt  }
0x7d: {  	_ =	shalt  }
0x7e: {  	_ =	shalt  }
0x7f: {  	_ =	shalt  }
0x80: {  	_ =	shalt  }
0x81: {  	_ =	shalt  }
0x82: {  	_ =	shalt  }
0x83: {  	_ =	shalt  }
0x84: {  	_ =	shalt  }
0x85: {  	_ =	shalt  }
0x86: {  	_ =	shalt  }
0x87: {  	_ =	shalt  }
.Lfunc_end0:
.L_simem_size_0:
called_computation_lowered:
.L_overlay_start_0:
0x88: {  	s2 =	sld [smem:$0x3FD9]  }
0x89: {  	s3 =	sld [smem:$0x3FFE];
	_ =	sdelay $0x1  }
0x8a: {  	s1 =	srdreg.scid  }
0x8b: {  	s0 =	sand.u32 $0x1, s1  }
0x8c: {  	s17 =	sshll.u32 s0, $0xA;
	s2 =	sadd.s32 s3, s2  }
0x8d: {  	s2 =	sadd.s32 s2, s17  }
0x8e: {  	[smem:$0x3FC2] =	sst s2  }
0x8f: {  	_ = 	snop  }
0x90: {  	s2 =	sld [smem:$0x3FD0];
	(tm) =	ssettm $0x1  }
0x91: {  	s18 =	sld [smem:$0x3FFB];
	_ =	sdelay $0x3  }
0x92: {  	_ =	strace s18  }
0x93: {  	s3 =	sld [smem:$0x3FFC];
	_ =	sdelay $0x3  }
0x94: {  	_ =	strace s3  }
0x95: {  	s3 =	sld [smem:$0x3FFD];
	_ =	sdelay $0x3  }
0x96: {  	_ =	strace s3  }
0x97: {  	_ =	strace $0x8FFFFFFF  }
0x98: {  	s19 =	sld [smem:$0x3FDB];
	_ =	sdelay $0x1  }
0x99: {  	s4 =	simm.s32 $_scs_section_size  }
0x9a: {  	s5 =	simm.s32 $_size__tile_overlayer_lowered;
	s6 =	simm.s32 $_tile_overlayer_lowered  }
0x9b: {  	s22 =	simm.s32 $0x1BFF;
	s21 =	sshll.u32 s6, $0x1;
	s3 =	sadd.s32 s4, s19  }
0x9c: {  	s7 =	simm.s32 $0x0;
	s20 =	sshll.u32 s5, $0x1;
	s5 =	sadd.s32 s21, s3  }
0x9d: {  	[timem:s7], [sflag:s22] =	dma.local [hbm:s5], s20  }
0x9e: {  	_ =	swait.ge [sflag:s22], s20  }
0x9f: {  	s4 =	ssub.s32 $0x0, s20;
	[sflag:s22] =	ssyncset.done $0x0  }
0xa0: {  	[sflag:s22] =	ssyncadd.s32 s4;
	_ =	sdelay $0x1  }
0xa1: {  	s23 =	simm.s32 $0x1B8B  }
0xa2: {  	_ =	swait.ge [sflag:s23], $0x1  }
0xa3: {  	[sflag:s23] =	ssyncset.done $0x0  }
0xa4: {  	s25 =	simm.s32 $0x1B8E;
	s24 =	sld [smem:$0x3FFE];
	[sflag:s23] =	ssyncadd.s32 $0xFFFFFFFF  }
0xa5: {  	s26 =	simm.s32 $execute0_lowered;
	[smem:$0x3FD2] =	sst s25  }
0xa6: {  	s5 =	sshll.u32 s26, $0x1;
	_ =	strace $0x80000046;
	[dreg:$0x1] =	wrdreg $0xFFFFFFFF  }
0xa7: {  	s28 =	simm.s32 $_size_execute0_lowered;
	s3 =	sadd.s32 s3, s5;
	[dreg:$0x0] =	wrdreg $0x0  }
0xa8: {  	s5 =	sshll.u32 s28, $0x1;
	[dreg:$0x2] =	wrdreg s3  }
0xa9: {  	[dreg:$0x3] =	wrdreg s5  }
0xaa: {  	[dreg:$0x4] =	wrdreg $0xC0  }
0xab: {  	_ =	task [dreg:s7], $0x5FFFF  }
0xac: {  	[dreg:$0x1] =	wrdreg $0xFFFFFFFF  }
0xad: {  	[dreg:$0x0] =	wrdreg $0x60  }
0xae: {  	[dreg:$0x2] =	wrdreg s24  }
0xaf: {  	[dreg:$0x3] =	wrdreg s2  }
0xb0: {  	[dreg:$0x4] =	wrdreg $0x71C00  }
0xb1: {  	[dreg:$0x5] =	wrdreg $0x9  }
0xb2: {  	_ =	task.clear_ibuf [dreg:s7], $0x6FFFF;
	_ =	strace $0x90000046  }
0xb3: {  	s29 =	simm.s32 $0x9;
	_ =	strace $0x80000048  }
0xb4: {  	_ =	swait.ge [sflag:s29], $0x1  }
0xb5: {  	[sflag:s29] =	ssyncadd.s32 $0xFFFFFFFF  }
0xb6: {  	_ =	strace $0x90000048  }
0xb7: {  	_ =	sfence  }
0xb8: {  	s30 =	sld [smem:$0x0];
	_ =	sdelay $0x2  }
0xb9: {  	s31 =	sshll.u32 s1, $0xD;
	s1 =	sshrl.u32 s1, $0x2  }
0xba: {  	s3 =	sand.u32 $0x4000, s31;
	s1 =	sadd.s32 s1, s30  }
0xbb: {  	s0 =	sor.u32 s3, s0;
	s1 =	sshll.u32 s1, $0x11  }
0xbc: {  	s0 =	sor.u32 s1, s0  }
0xbd: {  	s0 =	sadd.s32 $0x8F2B, s0  }
0xbe: {  	[sflag:s0] =	ssyncadd.remote.s32 $0x1  }
0xbf: {  	_ =	sfence.sel $0xFFFF  }
0xc0: {  	[dreg:$0x0] =	wrdreg $0xFFFFFFFF;
	(pc) =	sbr.abs _section_cstart, $3  }
0xc1: {  	[dreg:$0x1] =	wrdreg $0xFFFFFFFF  }
0xc2: {  	_ =	task.clear_ibuf [dreg:s7], $0x2FFFF;
	_ =	strace $0x9FFFFFFF  }
0xc3: {  	(tm) =	ssettm $0x7FFFFFFF  }
tec
execute0_lowered:
.L_overlay_start_1:
0x0: {  	(tag) =	ssettag $0x1  }
0x1: {  	s0 =	rddreg [dreg:$0x0]  }
0x2: {  	s2 =	rddreg [dreg:$0x1]  }
0x3: {  	s3 =	rddreg [dreg:$0x2];
	s5 =	srdreg.scid  }
0x4: {  	s1 =	stileid.u32;
	s4 =	simm.s32 $0x0;
	s12 =	simm.s32 $0x2900  }
0x5: {  	s13 =	simm.s32 $0x5E00;
	s14 =	simm.s32 $0x80;
	s15 =	simm.s32 $0x5200  }
0x6: {  	s16 =	simm.s32 $0x5600;
	s17 =	simm.s32 $0x1;
	s18 =	simm.s32 $0x100  }
0x7: {  	s19 =	simm.s32 $0x5A00;
	s20 =	simm.s32 $0x2;
	s21 =	simm.s32 $0x4  }
0x8: {  	s22 =	simm.s32 $0x3;
	s23 =	simm.s32 $0x5;
	s24 =	simm.s32 $0x6  }
0x9: {  	s25 =	simm.s32 $0x2880;
	s26 =	simm.s32 $0x5080;
	s28 =	simm.s32 $0x5100  }
0xa: {  	s29 =	simm.s32 $0x5180;
	s30 =	simm.s32 $0x0;
	s5 =	sand.u32 $0x1, s5  }
0xb: {  	s8 =	smul.u32 $0x13C0, s1;
	[smem:$0x7FF] =	sst s4;
	s6 =	sshll.u32 s1, $0x1  }
0xc: {  	s7 =	smul.u32 $0x13C00, s5;
	s6 =	sor.u32 s5, s6;
	s9 =	ssub.s32 $0x2, s5  }
0xd: {  	_ =	strace $0x80000047;
	s6 =	smul.u32 $0x520, s6;
	s10 =	sshrl.u32 s9, $0x1  }
0xe: {  	s5 =	sadd.s32 $0x1000, s0;
	s7 =	sadd.s32 s8, s7;
	s10 =	ssub.s32 s9, s10  }
0xf: {  	s8 =	sadd.s32 s8, s3;
	s7 =	sshrl.u32 s7, $0x3;
	s11 =	sadd.s32 s6, s0  }
0x10: {  	s10 =	smax.u32 s10, $0x1;
	s0 =	sadd.s32 s7, s0;
	s6 =	sadd.s32 $0x4F200, s11  }
0x11: {  	s7 =	sadd.s32 $0x59600, s11;
	s11 =	simm.s32 $0x7;
	s9 =	sadd.s32 $0x63A00, s0  }
.LBB2_1:
0x12: {  	[tilespmem:s4], [sflag:$0x7] =	stream.linear.gather [hbm4b:s6+s4], $0x2900, $0x38;
	[tilespmem:$0x8580] =	vst v63  }
0x13: {  	_ =	swait.ge [sflag:s11], $0x2900  }
0x14: {  	[sflag:s11] =	ssyncset.done $0x0  }
0x15: {  	[sflag:s11] =	ssyncadd.s32 $0xFFFFD700  }
0x16: {  	[tilespmem:s12], [sflag:$0x7] =	stream.linear.gather [hbm4b:s7+s4], $0x2900, $0x38;
	[tilespmem:$0x8580] =	vst v63  }
0x17: {  	_ =	swait.ge [sflag:s11], $0x2900  }
0x18: {  	[sflag:s11] =	ssyncset.done $0x0  }
0x19: {  	[sflag:s11] =	ssyncadd.s32 $0xFFFFD700  }
0x1a: {  	[tilespmem:s13], [sflag:$0x7] =	stream.linear.gather [hbm4b:s2+s4], $0x13C0, $0x38;
	[tilespmem:$0x8580] =	vst v63  }
0x1b: {  	_ =	swait.ge [sflag:s11], $0x13C0  }
0x1c: {  	[sflag:s11] =	ssyncset.done $0x0  }
0x1d: {  	[sflag:s11] =	ssyncadd.s32 $0xFFFFEC40  }
0x1e: {  	[spmem:s8] =	stream.linear.scatter [tilespmem:s13], [sflag:$0x7], $0x13C0, $0x38;
	[tilespmem:$0x8580] =	vst v63  }
0x1f: {  	_ =	swait.ge [sflag:s11], $0x13C0  }
0x20: {  	[sflag:s11] =	ssyncset.done $0x0  }
0x21: {  	[sflag:s11] =	ssyncadd.s32 $0xFFFFEC40  }
0x22: {  	[bflag:$0x0] =	sbarrier.arrive $0xFFFF  }
0x23: {  	[tilespmem:s15], [sflag:$0x1] =	stream.indirect.gather [hbm4b:s5+s14], $0x8, s4, s14, $0xb8;
	[tilespmem:$0x8580] =	vst v63  }
0x24: {  	_ = 	snop  }
0x25: {  	[tilespmem:s16], [sflag:$0x2] =	stream.indirect.gather [hbm4b:s5+s14], $0x8, s14, s14, $0xb8;
	[tilespmem:$0x8580] =	vst v63  }
0x26: {  	_ =	swait.ge [sflag:s17], $0x400  }
0x27: {  	[sflag:s17] =	ssyncset.done $0x0  }
0x28: {  	[sflag:s17] =	ssyncadd.s32 $0xFFFFFC00  }
0x29: {  	[spmem:s3] =	stream.indirect.scatter.add.f32 [tilespmem:s15], [sflag:$0x4], $0x8, s12, s14, $0xb8;
	[tilespmem:$0x8580] =	vst v63  }
0x2a: {  	_ = 	snop  }
0x2b: {  	[tilespmem:s19], [sflag:$0x3] =	stream.indirect.gather [hbm4b:s5+s14], $0x8, s18, s14, $0xb8;
	[tilespmem:$0x8580] =	vst v63  }
0x2c: {  	_ =	swait.ge [sflag:s20], $0x400  }
0x2d: {  	[sflag:s20] =	ssyncset.done $0x0  }
0x2e: {  	[sflag:s20] =	ssyncadd.s32 $0xFFFFFC00  }
0x2f: {  	_ =	swait.ge [sflag:s21], $0x400  }
0x30: {  	[sflag:s21] =	ssyncset.done $0x0  }
0x31: {  	s0 =	simm.s32 $0x180;
	[sflag:s21] =	ssyncadd.s32 $0xFFFFFC00  }
0x32: {  	[tilespmem:s15], [sflag:$0x1] =	stream.indirect.gather [hbm4b:s5+s14], $0x8, s0, s14, $0xb8;
	[tilespmem:$0x8580] =	vst v63  }
0x33: {  	s1 =	simm.s32 $0x2980  }
0x34: {  	[spmem:s3] =	stream.indirect.scatter.add.f32 [tilespmem:s16], [sflag:$0x5], $0x8, s1, s14, $0xb8;
	[tilespmem:$0x8580] =	vst v63  }
0x35: {  	_ =	swait.ge [sflag:s22], $0x400  }
0x36: {  	[sflag:s22] =	ssyncset.done $0x0  }
0x37: {  	[sflag:s22] =	ssyncadd.s32 $0xFFFFFC00  }
0x38: {  	_ =	swait.ge [sflag:s23], $0x400  }
0x39: {  	[sflag:s23] =	ssyncset.done $0x0  }
0x3a: {  	s1 =	simm.s32 $0x200;
	[sflag:s23] =	ssyncadd.s32 $0xFFFFFC00  }
0x3b: {  	[tilespmem:s16], [sflag:$0x2] =	stream.indirect.gather [hbm4b:s5+s14], $0x8, s1, s14, $0xb8;
	[tilespmem:$0x8580] =	vst v63  }
0x3c: {  	s1 =	simm.s32 $0x2A00  }
0x3d: {  	[spmem:s3] =	stream.indirect.scatter.add.f32 [tilespmem:s19], [sflag:$0x6], $0x8, s1, s14, $0xb8;
	[tilespmem:$0x8580] =	vst v63  }
0x3e: {  	_ =	swait.ge [sflag:s17], $0x400  }
0x3f: {  	[sflag:s17] =	ssyncset.done $0x0  }
0x40: {  	[sflag:s17] =	ssyncadd.s32 $0xFFFFFC00  }
0x41: {  	_ =	swait.ge [sflag:s24], $0x400  }
0x42: {  	s31 =	simm.s32 $0x600;
	[sflag:s24] =	ssyncset.done $0x0  }
0x43: {  	s0 =	simm.s32 $0x2A80;
	s1 =	simm.s32 $0x280;
	[sflag:s24] =	ssyncadd.s32 $0xFFFFFC00  }
0x44: {  	[tilespmem:s19], [sflag:$0x3] =	stream.indirect.gather [hbm4b:s5+s14], $0x8, s1, s14, $0xb8;
	[tilespmem:$0x8580] =	vst v63  }
.LBB2_2:
0x45: {  	[spmem:s3] =	stream.indirect.scatter.add.f32 [tilespmem:s15], [sflag:$0x4], $0x8, s0, s14, $0xb8;
	[tilespmem:$0x8580] =	vst v63  }
0x46: {  	s0 =	smov.u32 s31  }
0x47: {  	p0 =	sne.s32 s31, $0x9600;
	s31 =	sadd.s32 $0x600, s31;
	_ =	swait.ge [sflag:s20], $0x400  }
0x48: {  	[sflag:s20] =	ssyncset.done $0x0  }
0x49: {  	[sflag:s20] =	ssyncadd.s32 $0xFFFFFC00  }
0x4a: {  	_ =	swait.ge [sflag:s21], $0x400  }
0x4b: {  	s0 =	sshra.s32 s0, $0x2;
	[sflag:s21] =	ssyncset.done $0x0  }
0x4c: {  	s1 =	sadd.s32 $0x180, s0;
	[sflag:s21] =	ssyncadd.s32 $0xFFFFFC00  }
0x4d: {  	[tilespmem:s15], [sflag:$0x1] =	stream.indirect.gather [hbm4b:s5+s14], $0x8, s1, s14, $0xb8;
	[tilespmem:$0x8580] =	vst v63  }
0x4e: {  	s1 =	sadd.s32 $0x2980, s0  }
0x4f: {  	[spmem:s3] =	stream.indirect.scatter.add.f32 [tilespmem:s16], [sflag:$0x5], $0x8, s1, s14, $0xb8;
	[tilespmem:$0x8580] =	vst v63  }
0x50: {  	_ =	swait.ge [sflag:s22], $0x400  }
0x51: {  	[sflag:s22] =	ssyncset.done $0x0  }
0x52: {  	[sflag:s22] =	ssyncadd.s32 $0xFFFFFC00  }
0x53: {  	_ =	swait.ge [sflag:s23], $0x400  }
0x54: {  	[sflag:s23] =	ssyncset.done $0x0  }
0x55: {  	s1 =	sadd.s32 $0x200, s0;
	[sflag:s23] =	ssyncadd.s32 $0xFFFFFC00  }
0x56: {  	[tilespmem:s16], [sflag:$0x2] =	stream.indirect.gather [hbm4b:s5+s14], $0x8, s1, s14, $0xb8;
	[tilespmem:$0x8580] =	vst v63  }
0x57: {  	s1 =	sadd.s32 $0x2A00, s0  }
0x58: {  	[spmem:s3] =	stream.indirect.scatter.add.f32 [tilespmem:s19], [sflag:$0x6], $0x8, s1, s14, $0xb8;
	[tilespmem:$0x8580] =	vst v63  }
0x59: {  	_ =	swait.ge [sflag:s17], $0x400  }
0x5a: {  	[sflag:s17] =	ssyncset.done $0x0  }
0x5b: {  	[sflag:s17] =	ssyncadd.s32 $0xFFFFFC00  }
.Ltmp0:
0x5c: {  	_ =	swait.ge [sflag:s24], $0x400;
	(pc) =	sbr.rel @p0 .LBB2_2-.Ltmp0, $4  }
0x5d: {  	[sflag:s24] =	ssyncset.done $0x0  }
0x5e: {  	s1 =	sadd.s32 $0x280, s0;
	[sflag:s24] =	ssyncadd.s32 $0xFFFFFC00  }
0x5f: {  	[tilespmem:s19], [sflag:$0x3] =	stream.indirect.gather [hbm4b:s5+s14], $0x8, s1, s14, $0xb8;
	[tilespmem:$0x8580] =	vst v63  }
0x60: {  	s0 =	sadd.s32 $0x2A80, s0  }
0x61: {  	[spmem:s3] =	stream.indirect.scatter.add.f32 [tilespmem:s15], [sflag:$0x4], $0x8, s0, s14, $0xb8;
	[tilespmem:$0x8580] =	vst v63  }
0x62: {  	_ =	swait.ge [sflag:s20], $0x400  }
0x63: {  	[sflag:s20] =	ssyncset.done $0x0  }
0x64: {  	[sflag:s20] =	ssyncadd.s32 $0xFFFFFC00  }
0x65: {  	_ =	swait.ge [sflag:s21], $0x400  }
0x66: {  	[sflag:s21] =	ssyncset.done $0x0  }
0x67: {  	[sflag:s21] =	ssyncadd.s32 $0xFFFFFC00  }
0x68: {  	[tilespmem:s15], [sflag:$0x1] =	stream.indirect.gather [hbm4b:s5+s14], $0x8, s25, s14, $0xb8;
	[tilespmem:$0x8580] =	vst v63  }
0x69: {  	_ = 	snop  }
0x6a: {  	[spmem:s3] =	stream.indirect.scatter.add.f32 [tilespmem:s16], [sflag:$0x5], $0x8, s26, s14, $0xb8;
	[tilespmem:$0x8580] =	vst v63  }
0x6b: {  	_ =	swait.ge [sflag:s22], $0x400  }
0x6c: {  	[sflag:s22] =	ssyncset.done $0x0  }
0x6d: {  	[sflag:s22] =	ssyncadd.s32 $0xFFFFFC00  }
0x6e: {  	_ =	swait.ge [sflag:s23], $0x400  }
0x6f: {  	[sflag:s23] =	ssyncset.done $0x0  }
0x70: {  	[sflag:s23] =	ssyncadd.s32 $0xFFFFFC00  }
0x71: {  	[spmem:s3] =	stream.indirect.scatter.add.f32 [tilespmem:s19], [sflag:$0x6], $0x8, s28, s14, $0xb8;
	[tilespmem:$0x8580] =	vst v63  }
0x72: {  	_ =	swait.ge [sflag:s17], $0x400  }
0x73: {  	[sflag:s17] =	ssyncset.done $0x0  }
0x74: {  	[sflag:s17] =	ssyncadd.s32 $0xFFFFFC00  }
0x75: {  	_ =	swait.ge [sflag:s24], $0x400  }
0x76: {  	[sflag:s24] =	ssyncset.done $0x0  }
0x77: {  	[sflag:s24] =	ssyncadd.s32 $0xFFFFFC00  }
0x78: {  	[spmem:s3] =	stream.indirect.scatter.add.f32 [tilespmem:s15], [sflag:$0x4], $0x8, s29, s14, $0xb8;
	[tilespmem:$0x8580] =	vst v63  }
0x79: {  	_ =	swait.ge [sflag:s21], $0x400  }
0x7a: {  	[sflag:s21] =	ssyncset.done $0x0  }
0x7b: {  	[sflag:s21] =	ssyncadd.s32 $0xFFFFFC00  }
0x7c: {  	[bflag:$0x0] =	sbarrier.arrive $0xFFFF  }
0x7d: {  	[tilespmem:s13], [sflag:$0x7] =	stream.linear.gather [spmem:s8], $0x13C0, $0x38;
	[tilespmem:$0x8580] =	vst v63  }
0x7e: {  	s30 =	sadd.s32 $0x1, s30;
	_ =	swait.ge [sflag:s11], $0x13C0  }
0x7f: {  	p0 =	sne.s32 s30, s10;
	[sflag:s11] =	ssyncset.done $0x0  }
.Ltmp1:
0x80: {  	[sflag:s11] =	ssyncadd.s32 $0xFFFFEC40;
	(pc) =	sbr.rel @p0 .LBB2_1-.Ltmp1, $4  }
0x81: {  	[hbm4b:s9+s4] =	stream.linear.scatter [tilespmem:s13], [sflag:$0x7], $0x13C0, $0x38;
	[tilespmem:$0x8580] =	vst v63  }
0x82: {  	_ =	swait.ge [sflag:s11], $0x13C0  }
0x83: {  	[sflag:s11] =	ssyncset.done $0x0  }
0x84: {  	[sflag:s11] =	ssyncadd.s32 $0xFFFFEC40  }
0x85: {  	_ =	sfence.sel $0x180000  }
0x86: {  	[bflag:$0x0] =	sbarrier.arrive $0xFFFF  }
0x87: {  	_ =	strace $0x90000047  }
0x88: {  	s0 =	stileid.u32;
	[bflag:$0x2] =	sbarrier.arrive $0xFFFF  }
0x89: {  	p0 =	sne.s32 s0, $0x0;
	s0 =	rddreg [dreg:$0x3]  }
0x8a: {  	s0 =	sadd.s32 @!p0 $0x100000, s0  }
0x8b: {  	[sflag:s0] =	ssyncadd.tile.s32 @!p0 $0x1;
	_ =	shalt  }
.Lfunc_end2:
_tile_overlayer_lowered:
.L_overlay_start_2:
0x8c: {  	(tag) =	ssettag $0x2  }
0x8d: {  	s0 =	rddreg [dreg:$0x0];
	s2 =	stileid.u32  }
0x8e: {  	s1 =	rddreg [dreg:$0x1];
	p0 =	sne.s32 s2, $0x0  }
0x8f: {  	s3 =	rddreg [dreg:$0x2];
	[bflag:$0x3] =	sbarrier.arrive $0xFFFF;
	s2 =	simm.s32 @!p0 $0x1C07  }
0x90: {  	[timem:s3], [sflag:s2] =	dma.local @!p0 [hbm:s0], s1  }
0x91: {  	s0 =	simm.s32 @!p0 $0x7  }
0x92: {  	_ =	swait.ge @!p0 [sflag:s0], s1  }
0x93: {  	s1 =	ssub.s32 @!p0 $0x0, s1;
	[sflag:s0] =	ssyncset.done @!p0 $0x0  }
0x94: {  	[sflag:s0] =	ssyncadd.s32 @!p0 s1  }
0x95: {  	[bflag:$0x3] =	sbarrier.arrive $0xFFFF  }
0x96: {  	_ =	shalt  }

</sc_bundles>
